<compile_context>
chip_gen: v7x
topology: tpu7x:2x2x1
jax: 0.10.2.dev20260603
libtpu: 0.0.44.dev20260713+nightly
codegen_flags: <defaults>
</compile_context>

<pallas_src>
import functools

import jax
import jax.numpy as jnp
from jax import lax
from jax.experimental import pallas as pl
from jax.experimental.pallas import tpu as pltpu
from jax.experimental.pallas import tpu_sc as plsc

BATCH = 16
LENGTH = 512
N_CHANNELS = 6
N_REL = 131072
TOTAL = BATCH * LENGTH * LENGTH * N_CHANNELS

NUM_CORES = 2
NUM_SUBCORES = 16
HALF = TOTAL // NUM_CORES
SHARD = HALF // NUM_SUBCORES
ZCHUNK = 32768
NZDMA = SHARD // ZCHUNK

ICOLS = 128
REL_PER_TILE = N_REL // NUM_SUBCORES
IROWS = REL_PER_TILE // ICOLS
VSTEPS = REL_PER_TILE // 16
IGNORED = -1
DMA_GROUP = 8

_mesh = plsc.VectorSubcoreMesh(
    core_axis_name="c", subcore_axis_name="s",
    num_cores=NUM_CORES, num_subcores=NUM_SUBCORES,
)


@functools.partial(
    pl.kernel,
    mesh=_mesh,
    out_type=jax.ShapeDtypeStruct((TOTAL,), jnp.float32),
    scratch_types=[
        pltpu.VMEM((ZCHUNK,), jnp.float32),
        pltpu.VMEM((REL_PER_TILE,), jnp.int32),
        pltpu.VMEM((REL_PER_TILE,), jnp.int32),
        pltpu.VMEM((REL_PER_TILE,), jnp.int32),
        pltpu.VMEM((REL_PER_TILE,), jnp.int32),
        pltpu.VMEM((REL_PER_TILE,), jnp.float32),
        pltpu.VMEM((IROWS, ICOLS), jnp.int32),
        pltpu.SemaphoreType.DMA,
        pltpu.SemaphoreType.DMA,
    ],
)
def _sc_dep(rb_hbm, rs_hbm, rd_hbm, rt_hbm, rv_hbm, dep_hbm,
            zero_v, b_v, s_v, d_v, t_v, v_v, idx_v, zsem, sem):
    cid = lax.axis_index("c")
    sid = lax.axis_index("s")

    def fill_zero(i, carry):
        zero_v[pl.ds(i * 16, 16)] = jnp.zeros((16,), jnp.float32)
        return carry

    lax.fori_loop(0, ZCHUNK // 16, fill_zero, 0)

    shard_base = cid * HALF + sid * SHARD
    zero_copies = [
        pltpu.make_async_copy(
            zero_v, dep_hbm.at[pl.ds(shard_base + k * ZCHUNK, ZCHUNK)], zsem
        )
        for k in range(NZDMA)
    ]
    for cp in zero_copies:
        cp.start()

    rel_base = sid * REL_PER_TILE
    in_copies = [
        pltpu.async_copy(hbm.at[pl.ds(rel_base, REL_PER_TILE)], vmem, sem)
        for hbm, vmem in [(rb_hbm, b_v), (rs_hbm, s_v), (rd_hbm, d_v),
                          (rt_hbm, t_v), (rv_hbm, v_v)]
    ]
    for cp in in_copies:
        cp.wait()

    lo = cid * HALF
    hi = lo + HALF

    def compute(m, carry):
        p = m * 16
        b = b_v[pl.ds(p, 16)]
        s = s_v[pl.ds(p, 16)]
        d = d_v[pl.ds(p, 16)]
        t = t_v[pl.ds(p, 16)]
        off = (
            (b * N_CHANNELS + t) * (LENGTH * LENGTH)
            + (((s >> 3) << 2) + (d >> 7)) * 1024
            + ((s & 7) << 7)
            + (d & 127)
        )
        owned = (off >= lo) & (off < hi)
        r = m // 8
        c16 = (m % 8) * 16
        idx_v[r, pl.ds(c16, 16)] = jnp.where(
            owned, off, jnp.full((16,), IGNORED, jnp.int32)
        )
        return carry

    lax.fori_loop(0, VSTEPS, compute, 0)

    for cp in zero_copies:
        cp.wait()
    plsc.subcore_barrier()

    def group(g, carry):
        row0 = g * DMA_GROUP
        copies = [
            pltpu.async_copy(
                v_v.at[pl.ds((row0 + j) * ICOLS, ICOLS)],
                dep_hbm.at[plsc.Indices(idx_v.at[row0 + j],
                                        ignored_value=IGNORED)],
                sem,
            )
            for j in range(DMA_GROUP)
        ]
        for cp in copies:
            cp.wait()
        return carry

    lax.fori_loop(0, IROWS // DMA_GROUP, group, 0)


def kernel(rel_b, rel_src, rel_dst, rel_type, rel_val):
    dep = _sc_dep(rel_b, rel_src, rel_dst, rel_type, rel_val)
    x = dep.reshape(BATCH, N_CHANNELS, LENGTH // 8, LENGTH // 128, 8, 128)
    x = x.transpose(0, 2, 4, 3, 5, 1)
    return x.reshape(BATCH, LENGTH, LENGTH, N_CHANNELS)

# --- scband reference (transcript-rebuilt; emitter-appended) ---
"""Pipeline reference for scband-pair-token-dependency-relation-40750649704566 (READ-ONLY COPY).

The authoritative reference and input builder live on the scoring server;
editing this copy changes nothing except your own understanding.
"""

import jax, jax.numpy as jnp
import numpy as np

BATCH = 16
LENGTH = 512
N_REL = 131072
N_CHANNELS = 6


def setup_inputs(seed: int = 0) -> dict:
    key = jax.random.key(seed)
    k1, k2, k3, k4 = jax.random.split(key, 4)
    rel_b = jax.random.randint(k1, (N_REL,), 0, BATCH, dtype=jnp.int32)
    rel_src = jax.random.randint(k2, (N_REL,), 0, LENGTH, dtype=jnp.int32)
    rel_dst = jax.random.randint(k3, (N_REL,), 0, LENGTH, dtype=jnp.int32)
    rel_type = jax.random.randint(k4, (N_REL,), 0, N_CHANNELS, dtype=jnp.int32)
    rel_val = jnp.ones((N_REL,), dtype=jnp.float32)
    return {"rel_b": rel_b, "rel_src": rel_src, "rel_dst": rel_dst, "rel_type": rel_type, "rel_val": rel_val}


def reference(rel_b, rel_src, rel_dst, rel_type, rel_val):
    # Faithful tensorized form of PairTokenDependencyRelation.forward:
    # the original iterates over spaCy tokens and writes 1.0 into a zero-
    # initialized dense tensor dep[b, j, r.i, channel] for each dependency
    # relation (children/lefts/rights/conjuncts/head/ancestors -> 6 channels).
    # Here the relations are pre-extracted as index tuples (b, src, dst, type)
    # and the write dep[b, src, dst, type] = 1.0 is a scatter-overwrite.
    dep = jnp.zeros((BATCH, LENGTH, LENGTH, N_CHANNELS), dtype=jnp.float32)
    dep = dep.at[rel_b, rel_src, rel_dst, rel_type].set(rel_val)
    return dep

if __name__ == "__main__":
    import jax
    _d = setup_inputs()
    print(jax.jit(kernel)(*tuple(_d.values())))

</pallas_src>

<mosaic_0001>
#map = affine_map<(d0, d1) -> (0)>
module attributes {stable_mosaic.version = 14 : i64} {
  func.func @_sc_dep(%arg0: i32, %arg1: i32, %arg2: memref<131072xi32, #tpu.memory_space<hbm>>, %arg3: memref<131072xi32, #tpu.memory_space<hbm>>, %arg4: memref<131072xi32, #tpu.memory_space<hbm>>, %arg5: memref<131072xi32, #tpu.memory_space<hbm>>, %arg6: memref<131072xf32, #tpu.memory_space<hbm>>, %arg7: memref<25165824xf32, #tpu.memory_space<hbm>>, %arg8: memref<32768xf32, #tpu.memory_space<vmem>>, %arg9: memref<8192xi32, #tpu.memory_space<vmem>>, %arg10: memref<8192xi32, #tpu.memory_space<vmem>>, %arg11: memref<8192xi32, #tpu.memory_space<vmem>>, %arg12: memref<8192xi32, #tpu.memory_space<vmem>>, %arg13: memref<8192xf32, #tpu.memory_space<vmem>>, %arg14: memref<64x128xi32, #tpu.memory_space<vmem>>, %arg15: memref<!tpu.dma_semaphore, #tpu.memory_space<semaphore_mem>>, %arg16: memref<!tpu.dma_semaphore, #tpu.memory_space<semaphore_mem>>) attributes {dimension_semantics = [#tpu.dimension_semantics<core_parallel>, #tpu.dimension_semantics<subcore_parallel>], iteration_bounds = array<i64: 2, 16>, scalar_prefetch = 0 : i64, scratch_operands = 9 : i64, tpu.core_type = #tpu.core_type<sc_vector_subcore>, window_params = [{transform_indices = #map}, {transform_indices = #map}, {transform_indices = #map}, {transform_indices = #map}, {transform_indices = #map}, {transform_indices = #map}]} {
    %scan3A = arith.constant 0 : i32
    %scan3A_0 = arith.constant 0 : i32
    %scan3A_1 = arith.constant 2048 : i32
    %scan3A_2 = arith.addi %scan3A_0, %scan3A_1 : i32
    %scan3A_3 = arith.constant 1 : i32
    scf.for %scan3A_188 = %scan3A_0 to %scan3A_2 step %scan3A_3  : i32 {
      %broadcast_in_dim3A = arith.constant 0.000000e+00 : f32
      %broadcast_in_dim3A_189 = vector.broadcast %broadcast_in_dim3A : f32 to vector<16xf32>
      %mul3A_190 = arith.constant 16 : i32
      %mul3A_191 = arith.muli %scan3A_188, %mul3A_190 : i32
      %swap3A = arith.index_cast %mul3A_191 : i32 to index
      %swap3A_192 = tpu.vector_load %arg8[%swap3A] {strides = array<i32>} : memref<32768xf32, #tpu.memory_space<vmem>>, vector<16xf32>,
      %swap3A_193 = vector.shape_cast %swap3A_192 : vector<16xf32> to vector<16xf32>
      %swap3A_194 = vector.shape_cast %broadcast_in_dim3A_189 : vector<16xf32> to vector<16xf32>
      tpu.vector_store %arg8[%swap3A], %swap3A_194 {strides = array<i32>} : memref<32768xf32, #tpu.memory_space<vmem>>, vector<16xf32>,
    }
    %scan3A_4 = arith.constant 2048 : i32
    %mul3A = arith.constant 12582912 : i32
    %mul3A_5 = arith.muli %arg0, %mul3A : i32
    %mul3A_6 = arith.constant 786432 : i32
    %mul3A_7 = arith.muli %arg1, %mul3A_6 : i32
    %add3A = arith.addi %mul3A_5, %mul3A_7 : i32
    %add3A_8 = arith.constant 0 : i32
    %add3A_9 = arith.addi %add3A, %add3A_8 : i32
    %add3A_10 = arith.constant 32768 : i32
    %add3A_11 = arith.addi %add3A, %add3A_10 : i32
    %add3A_12 = arith.constant 65536 : i32
    %add3A_13 = arith.addi %add3A, %add3A_12 : i32
    %add3A_14 = arith.constant 98304 : i32
    %add3A_15 = arith.addi %add3A, %add3A_14 : i32
    %add3A_16 = arith.constant 131072 : i32
    %add3A_17 = arith.addi %add3A, %add3A_16 : i32
    %add3A_18 = arith.constant 163840 : i32
    %add3A_19 = arith.addi %add3A, %add3A_18 : i32
    %add3A_20 = arith.constant 196608 : i32
    %add3A_21 = arith.addi %add3A, %add3A_20 : i32
    %add3A_22 = arith.constant 229376 : i32
    %add3A_23 = arith.addi %add3A, %add3A_22 : i32
    %add3A_24 = arith.constant 262144 : i32
    %add3A_25 = arith.addi %add3A, %add3A_24 : i32
    %add3A_26 = arith.constant 294912 : i32
    %add3A_27 = arith.addi %add3A, %add3A_26 : i32
    %add3A_28 = arith.constant 327680 : i32
    %add3A_29 = arith.addi %add3A, %add3A_28 : i32
    %add3A_30 = arith.constant 360448 : i32
    %add3A_31 = arith.addi %add3A, %add3A_30 : i32
    %add3A_32 = arith.constant 393216 : i32
    %add3A_33 = arith.addi %add3A, %add3A_32 : i32
    %add3A_34 = arith.constant 425984 : i32
    %add3A_35 = arith.addi %add3A, %add3A_34 : i32
    %add3A_36 = arith.constant 458752 : i32
    %add3A_37 = arith.addi %add3A, %add3A_36 : i32
    %add3A_38 = arith.constant 491520 : i32
    %add3A_39 = arith.addi %add3A, %add3A_38 : i32
    %add3A_40 = arith.constant 524288 : i32
    %add3A_41 = arith.addi %add3A, %add3A_40 : i32
    %add3A_42 = arith.constant 557056 : i32
    %add3A_43 = arith.addi %add3A, %add3A_42 : i32
    %add3A_44 = arith.constant 589824 : i32
    %add3A_45 = arith.addi %add3A, %add3A_44 : i32
    %add3A_46 = arith.constant 622592 : i32
    %add3A_47 = arith.addi %add3A, %add3A_46 : i32
    %add3A_48 = arith.constant 655360 : i32
    %add3A_49 = arith.addi %add3A, %add3A_48 : i32
    %add3A_50 = arith.constant 688128 : i32
    %add3A_51 = arith.addi %add3A, %add3A_50 : i32
    %add3A_52 = arith.constant 720896 : i32
    %add3A_53 = arith.addi %add3A, %add3A_52 : i32
    %add3A_54 = arith.constant 753664 : i32
    %add3A_55 = arith.addi %add3A, %add3A_54 : i32
    %dma_start3A = tpu.memref_slice %arg7[%add3A_9] : memref<25165824xf32, #tpu.memory_space<hbm>> -> memref<32768xf32, #tpu.memory_space<hbm>>
    %dma_start3A_56 = tpu.memref_slice %arg7[%add3A_9] : memref<25165824xf32, #tpu.memory_space<hbm>> -> memref<32768xf32, #tpu.memory_space<hbm>>
    tpu.enqueue_dma source(%arg8 : memref<32768xf32, #tpu.memory_space<vmem>>) target(%dma_start3A_56 : memref<32768xf32, #tpu.memory_space<hbm>>) target_semaphore(%arg15 : memref<!tpu.dma_semaphore, #tpu.memory_space<semaphore_mem>>)
    %dma_start3A_57 = tpu.memref_slice %arg7[%add3A_11] : memref<25165824xf32, #tpu.memory_space<hbm>> -> memref<32768xf32, #tpu.memory_space<hbm>>
    %dma_start3A_58 = tpu.memref_slice %arg7[%add3A_11] : memref<25165824xf32, #tpu.memory_space<hbm>> -> memref<32768xf32, #tpu.memory_space<hbm>>
    tpu.enqueue_dma source(%arg8 : memref<32768xf32, #tpu.memory_space<vmem>>) target(%dma_start3A_58 : memref<32768xf32, #tpu.memory_space<hbm>>) target_semaphore(%arg15 : memref<!tpu.dma_semaphore, #tpu.memory_space<semaphore_mem>>)
    %dma_start3A_59 = tpu.memref_slice %arg7[%add3A_13] : memref<25165824xf32, #tpu.memory_space<hbm>> -> memref<32768xf32, #tpu.memory_space<hbm>>
    %dma_start3A_60 = tpu.memref_slice %arg7[%add3A_13] : memref<25165824xf32, #tpu.memory_space<hbm>> -> memref<32768xf32, #tpu.memory_space<hbm>>
    tpu.enqueue_dma source(%arg8 : memref<32768xf32, #tpu.memory_space<vmem>>) target(%dma_start3A_60 : memref<32768xf32, #tpu.memory_space<hbm>>) target_semaphore(%arg15 : memref<!tpu.dma_semaphore, #tpu.memory_space<semaphore_mem>>)
    %dma_start3A_61 = tpu.memref_slice %arg7[%add3A_15] : memref<25165824xf32, #tpu.memory_space<hbm>> -> memref<32768xf32, #tpu.memory_space<hbm>>
    %dma_start3A_62 = tpu.memref_slice %arg7[%add3A_15] : memref<25165824xf32, #tpu.memory_space<hbm>> -> memref<32768xf32, #tpu.memory_space<hbm>>
    tpu.enqueue_dma source(%arg8 : memref<32768xf32, #tpu.memory_space<vmem>>) target(%dma_start3A_62 : memref<32768xf32, #tpu.memory_space<hbm>>) target_semaphore(%arg15 : memref<!tpu.dma_semaphore, #tpu.memory_space<semaphore_mem>>)
    %dma_start3A_63 = tpu.memref_slice %arg7[%add3A_17] : memref<25165824xf32, #tpu.memory_space<hbm>> -> memref<32768xf32, #tpu.memory_space<hbm>>
    %dma_start3A_64 = tpu.memref_slice %arg7[%add3A_17] : memref<25165824xf32, #tpu.memory_space<hbm>> -> memref<32768xf32, #tpu.memory_space<hbm>>
    tpu.enqueue_dma source(%arg8 : memref<32768xf32, #tpu.memory_space<vmem>>) target(%dma_start3A_64 : memref<32768xf32, #tpu.memory_space<hbm>>) target_semaphore(%arg15 : memref<!tpu.dma_semaphore, #tpu.memory_space<semaphore_mem>>)
    %dma_start3A_65 = tpu.memref_slice %arg7[%add3A_19] : memref<25165824xf32, #tpu.memory_space<hbm>> -> memref<32768xf32, #tpu.memory_space<hbm>>
    %dma_start3A_66 = tpu.memref_slice %arg7[%add3A_19] : memref<25165824xf32, #tpu.memory_space<hbm>> -> memref<32768xf32, #tpu.memory_space<hbm>>
    tpu.enqueue_dma source(%arg8 : memref<32768xf32, #tpu.memory_space<vmem>>) target(%dma_start3A_66 : memref<32768xf32, #tpu.memory_space<hbm>>) target_semaphore(%arg15 : memref<!tpu.dma_semaphore, #tpu.memory_space<semaphore_mem>>)
    %dma_start3A_67 = tpu.memref_slice %arg7[%add3A_21] : memref<25165824xf32, #tpu.memory_space<hbm>> -> memref<32768xf32, #tpu.memory_space<hbm>>
    %dma_start3A_68 = tpu.memref_slice %arg7[%add3A_21] : memref<25165824xf32, #tpu.memory_space<hbm>> -> memref<32768xf32, #tpu.memory_space<hbm>>
    tpu.enqueue_dma source(%arg8 : memref<32768xf32, #tpu.memory_space<vmem>>) target(%dma_start3A_68 : memref<32768xf32, #tpu.memory_space<hbm>>) target_semaphore(%arg15 : memref<!tpu.dma_semaphore, #tpu.memory_space<semaphore_mem>>)
    %dma_start3A_69 = tpu.memref_slice %arg7[%add3A_23] : memref<25165824xf32, #tpu.memory_space<hbm>> -> memref<32768xf32, #tpu.memory_space<hbm>>
    %dma_start3A_70 = tpu.memref_slice %arg7[%add3A_23] : memref<25165824xf32, #tpu.memory_space<hbm>> -> memref<32768xf32, #tpu.memory_space<hbm>>
    tpu.enqueue_dma source(%arg8 : memref<32768xf32, #tpu.memory_space<vmem>>) target(%dma_start3A_70 : memref<32768xf32, #tpu.memory_space<hbm>>) target_semaphore(%arg15 : memref<!tpu.dma_semaphore, #tpu.memory_space<semaphore_mem>>)
    %dma_start3A_71 = tpu.memref_slice %arg7[%add3A_25] : memref<25165824xf32, #tpu.memory_space<hbm>> -> memref<32768xf32, #tpu.memory_space<hbm>>
    %dma_start3A_72 = tpu.memref_slice %arg7[%add3A_25] : memref<25165824xf32, #tpu.memory_space<hbm>> -> memref<32768xf32, #tpu.memory_space<hbm>>
    tpu.enqueue_dma source(%arg8 : memref<32768xf32, #tpu.memory_space<vmem>>) target(%dma_start3A_72 : memref<32768xf32, #tpu.memory_space<hbm>>) target_semaphore(%arg15 : memref<!tpu.dma_semaphore, #tpu.memory_space<semaphore_mem>>)
    %dma_start3A_73 = tpu.memref_slice %arg7[%add3A_27] : memref<25165824xf32, #tpu.memory_space<hbm>> -> memref<32768xf32, #tpu.memory_space<hbm>>
    %dma_start3A_74 = tpu.memref_slice %arg7[%add3A_27] : memref<25165824xf32, #tpu.memory_space<hbm>> -> memref<32768xf32, #tpu.memory_space<hbm>>
    tpu.enqueue_dma source(%arg8 : memref<32768xf32, #tpu.memory_space<vmem>>) target(%dma_start3A_74 : memref<32768xf32, #tpu.memory_space<hbm>>) target_semaphore(%arg15 : memref<!tpu.dma_semaphore, #tpu.memory_space<semaphore_mem>>)
    %dma_start3A_75 = tpu.memref_slice %arg7[%add3A_29] : memref<25165824xf32, #tpu.memory_space<hbm>> -> memref<32768xf32, #tpu.memory_space<hbm>>
    %dma_start3A_76 = tpu.memref_slice %arg7[%add3A_29] : memref<25165824xf32, #tpu.memory_space<hbm>> -> memref<32768xf32, #tpu.memory_space<hbm>>
    tpu.enqueue_dma source(%arg8 : memref<32768xf32, #tpu.memory_space<vmem>>) target(%dma_start3A_76 : memref<32768xf32, #tpu.memory_space<hbm>>) target_semaphore(%arg15 : memref<!tpu.dma_semaphore, #tpu.memory_space<semaphore_mem>>)
    %dma_start3A_77 = tpu.memref_slice %arg7[%add3A_31] : memref<25165824xf32, #tpu.memory_space<hbm>> -> memref<32768xf32, #tpu.memory_space<hbm>>
    %dma_start3A_78 = tpu.memref_slice %arg7[%add3A_31] : memref<25165824xf32, #tpu.memory_space<hbm>> -> memref<32768xf32, #tpu.memory_space<hbm>>
    tpu.enqueue_dma source(%arg8 : memref<32768xf32, #tpu.memory_space<vmem>>) target(%dma_start3A_78 : memref<32768xf32, #tpu.memory_space<hbm>>) target_semaphore(%arg15 : memref<!tpu.dma_semaphore, #tpu.memory_space<semaphore_mem>>)
    %dma_start3A_79 = tpu.memref_slice %arg7[%add3A_33] : memref<25165824xf32, #tpu.memory_space<hbm>> -> memref<32768xf32, #tpu.memory_space<hbm>>
    %dma_start3A_80 = tpu.memref_slice %arg7[%add3A_33] : memref<25165824xf32, #tpu.memory_space<hbm>> -> memref<32768xf32, #tpu.memory_space<hbm>>
    tpu.enqueue_dma source(%arg8 : memref<32768xf32, #tpu.memory_space<vmem>>) target(%dma_start3A_80 : memref<32768xf32, #tpu.memory_space<hbm>>) target_semaphore(%arg15 : memref<!tpu.dma_semaphore, #tpu.memory_space<semaphore_mem>>)
    %dma_start3A_81 = tpu.memref_slice %arg7[%add3A_35] : memref<25165824xf32, #tpu.memory_space<hbm>> -> memref<32768xf32, #tpu.memory_space<hbm>>
    %dma_start3A_82 = tpu.memref_slice %arg7[%add3A_35] : memref<25165824xf32, #tpu.memory_space<hbm>> -> memref<32768xf32, #tpu.memory_space<hbm>>
    tpu.enqueue_dma source(%arg8 : memref<32768xf32, #tpu.memory_space<vmem>>) target(%dma_start3A_82 : memref<32768xf32, #tpu.memory_space<hbm>>) target_semaphore(%arg15 : memref<!tpu.dma_semaphore, #tpu.memory_space<semaphore_mem>>)
    %dma_start3A_83 = tpu.memref_slice %arg7[%add3A_37] : memref<25165824xf32, #tpu.memory_space<hbm>> -> memref<32768xf32, #tpu.memory_space<hbm>>
    %dma_start3A_84 = tpu.memref_slice %arg7[%add3A_37] : memref<25165824xf32, #tpu.memory_space<hbm>> -> memref<32768xf32, #tpu.memory_space<hbm>>
    tpu.enqueue_dma source(%arg8 : memref<32768xf32, #tpu.memory_space<vmem>>) target(%dma_start3A_84 : memref<32768xf32, #tpu.memory_space<hbm>>) target_semaphore(%arg15 : memref<!tpu.dma_semaphore, #tpu.memory_space<semaphore_mem>>)
    %dma_start3A_85 = tpu.memref_slice %arg7[%add3A_39] : memref<25165824xf32, #tpu.memory_space<hbm>> -> memref<32768xf32, #tpu.memory_space<hbm>>
    %dma_start3A_86 = tpu.memref_slice %arg7[%add3A_39] : memref<25165824xf32, #tpu.memory_space<hbm>> -> memref<32768xf32, #tpu.memory_space<hbm>>
    tpu.enqueue_dma source(%arg8 : memref<32768xf32, #tpu.memory_space<vmem>>) target(%dma_start3A_86 : memref<32768xf32, #tpu.memory_space<hbm>>) target_semaphore(%arg15 : memref<!tpu.dma_semaphore, #tpu.memory_space<semaphore_mem>>)
    %dma_start3A_87 = tpu.memref_slice %arg7[%add3A_41] : memref<25165824xf32, #tpu.memory_space<hbm>> -> memref<32768xf32, #tpu.memory_space<hbm>>
    %dma_start3A_88 = tpu.memref_slice %arg7[%add3A_41] : memref<25165824xf32, #tpu.memory_space<hbm>> -> memref<32768xf32, #tpu.memory_space<hbm>>
    tpu.enqueue_dma source(%arg8 : memref<32768xf32, #tpu.memory_space<vmem>>) target(%dma_start3A_88 : memref<32768xf32, #tpu.memory_space<hbm>>) target_semaphore(%arg15 : memref<!tpu.dma_semaphore, #tpu.memory_space<semaphore_mem>>)
    %dma_start3A_89 = tpu.memref_slice %arg7[%add3A_43] : memref<25165824xf32, #tpu.memory_space<hbm>> -> memref<32768xf32, #tpu.memory_space<hbm>>
    %dma_start3A_90 = tpu.memref_slice %arg7[%add3A_43] : memref<25165824xf32, #tpu.memory_space<hbm>> -> memref<32768xf32, #tpu.memory_space<hbm>>
    tpu.enqueue_dma source(%arg8 : memref<32768xf32, #tpu.memory_space<vmem>>) target(%dma_start3A_90 : memref<32768xf32, #tpu.memory_space<hbm>>) target_semaphore(%arg15 : memref<!tpu.dma_semaphore, #tpu.memory_space<semaphore_mem>>)
    %dma_start3A_91 = tpu.memref_slice %arg7[%add3A_45] : memref<25165824xf32, #tpu.memory_space<hbm>> -> memref<32768xf32, #tpu.memory_space<hbm>>
    %dma_start3A_92 = tpu.memref_slice %arg7[%add3A_45] : memref<25165824xf32, #tpu.memory_space<hbm>> -> memref<32768xf32, #tpu.memory_space<hbm>>
    tpu.enqueue_dma source(%arg8 : memref<32768xf32, #tpu.memory_space<vmem>>) target(%dma_start3A_92 : memref<32768xf32, #tpu.memory_space<hbm>>) target_semaphore(%arg15 : memref<!tpu.dma_semaphore, #tpu.memory_space<semaphore_mem>>)
    %dma_start3A_93 = tpu.memref_slice %arg7[%add3A_47] : memref<25165824xf32, #tpu.memory_space<hbm>> -> memref<32768xf32, #tpu.memory_space<hbm>>
    %dma_start3A_94 = tpu.memref_slice %arg7[%add3A_47] : memref<25165824xf32, #tpu.memory_space<hbm>> -> memref<32768xf32, #tpu.memory_space<hbm>>
    tpu.enqueue_dma source(%arg8 : memref<32768xf32, #tpu.memory_space<vmem>>) target(%dma_start3A_94 : memref<32768xf32, #tpu.memory_space<hbm>>) target_semaphore(%arg15 : memref<!tpu.dma_semaphore, #tpu.memory_space<semaphore_mem>>)
    %dma_start3A_95 = tpu.memref_slice %arg7[%add3A_49] : memref<25165824xf32, #tpu.memory_space<hbm>> -> memref<32768xf32, #tpu.memory_space<hbm>>
    %dma_start3A_96 = tpu.memref_slice %arg7[%add3A_49] : memref<25165824xf32, #tpu.memory_space<hbm>> -> memref<32768xf32, #tpu.memory_space<hbm>>
    tpu.enqueue_dma source(%arg8 : memref<32768xf32, #tpu.memory_space<vmem>>) target(%dma_start3A_96 : memref<32768xf32, #tpu.memory_space<hbm>>) target_semaphore(%arg15 : memref<!tpu.dma_semaphore, #tpu.memory_space<semaphore_mem>>)
    %dma_start3A_97 = tpu.memref_slice %arg7[%add3A_51] : memref<25165824xf32, #tpu.memory_space<hbm>> -> memref<32768xf32, #tpu.memory_space<hbm>>
    %dma_start3A_98 = tpu.memref_slice %arg7[%add3A_51] : memref<25165824xf32, #tpu.memory_space<hbm>> -> memref<32768xf32, #tpu.memory_space<hbm>>
    tpu.enqueue_dma source(%arg8 : memref<32768xf32, #tpu.memory_space<vmem>>) target(%dma_start3A_98 : memref<32768xf32, #tpu.memory_space<hbm>>) target_semaphore(%arg15 : memref<!tpu.dma_semaphore, #tpu.memory_space<semaphore_mem>>)
    %dma_start3A_99 = tpu.memref_slice %arg7[%add3A_53] : memref<25165824xf32, #tpu.memory_space<hbm>> -> memref<32768xf32, #tpu.memory_space<hbm>>
    %dma_start3A_100 = tpu.memref_slice %arg7[%add3A_53] : memref<25165824xf32, #tpu.memory_space<hbm>> -> memref<32768xf32, #tpu.memory_space<hbm>>
    tpu.enqueue_dma source(%arg8 : memref<32768xf32, #tpu.memory_space<vmem>>) target(%dma_start3A_100 : memref<32768xf32, #tpu.memory_space<hbm>>) target_semaphore(%arg15 : memref<!tpu.dma_semaphore, #tpu.memory_space<semaphore_mem>>)
    %dma_start3A_101 = tpu.memref_slice %arg7[%add3A_55] : memref<25165824xf32, #tpu.memory_space<hbm>> -> memref<32768xf32, #tpu.memory_space<hbm>>
    %dma_start3A_102 = tpu.memref_slice %arg7[%add3A_55] : memref<25165824xf32, #tpu.memory_space<hbm>> -> memref<32768xf32, #tpu.memory_space<hbm>>
    tpu.enqueue_dma source(%arg8 : memref<32768xf32, #tpu.memory_space<vmem>>) target(%dma_start3A_102 : memref<32768xf32, #tpu.memory_space<hbm>>) target_semaphore(%arg15 : memref<!tpu.dma_semaphore, #tpu.memory_space<semaphore_mem>>)
    %mul3A_103 = arith.constant 8192 : i32
    %mul3A_104 = arith.muli %arg1, %mul3A_103 : i32
    %dma_start3A_105 = tpu.memref_slice %arg2[%mul3A_104] : memref<131072xi32, #tpu.memory_space<hbm>> -> memref<8192xi32, #tpu.memory_space<hbm>>
    %dma_start3A_106 = tpu.memref_slice %arg2[%mul3A_104] : memref<131072xi32, #tpu.memory_space<hbm>> -> memref<8192xi32, #tpu.memory_space<hbm>>
    tpu.enqueue_dma source(%dma_start3A_106 : memref<8192xi32, #tpu.memory_space<hbm>>) target(%arg9 : memref<8192xi32, #tpu.memory_space<vmem>>) target_semaphore(%arg16 : memref<!tpu.dma_semaphore, #tpu.memory_space<semaphore_mem>>)
    %dma_start3A_107 = tpu.memref_slice %arg3[%mul3A_104] : memref<131072xi32, #tpu.memory_space<hbm>> -> memref<8192xi32, #tpu.memory_space<hbm>>
    %dma_start3A_108 = tpu.memref_slice %arg3[%mul3A_104] : memref<131072xi32, #tpu.memory_space<hbm>> -> memref<8192xi32, #tpu.memory_space<hbm>>
    tpu.enqueue_dma source(%dma_start3A_108 : memref<8192xi32, #tpu.memory_space<hbm>>) target(%arg10 : memref<8192xi32, #tpu.memory_space<vmem>>) target_semaphore(%arg16 : memref<!tpu.dma_semaphore, #tpu.memory_space<semaphore_mem>>)
    %dma_start3A_109 = tpu.memref_slice %arg4[%mul3A_104] : memref<131072xi32, #tpu.memory_space<hbm>> -> memref<8192xi32, #tpu.memory_space<hbm>>
    %dma_start3A_110 = tpu.memref_slice %arg4[%mul3A_104] : memref<131072xi32, #tpu.memory_space<hbm>> -> memref<8192xi32, #tpu.memory_space<hbm>>
    tpu.enqueue_dma source(%dma_start3A_110 : memref<8192xi32, #tpu.memory_space<hbm>>) target(%arg11 : memref<8192xi32, #tpu.memory_space<vmem>>) target_semaphore(%arg16 : memref<!tpu.dma_semaphore, #tpu.memory_space<semaphore_mem>>)
    %dma_start3A_111 = tpu.memref_slice %arg5[%mul3A_104] : memref<131072xi32, #tpu.memory_space<hbm>> -> memref<8192xi32, #tpu.memory_space<hbm>>
    %dma_start3A_112 = tpu.memref_slice %arg5[%mul3A_104] : memref<131072xi32, #tpu.memory_space<hbm>> -> memref<8192xi32, #tpu.memory_space<hbm>>
    tpu.enqueue_dma source(%dma_start3A_112 : memref<8192xi32, #tpu.memory_space<hbm>>) target(%arg12 : memref<8192xi32, #tpu.memory_space<vmem>>) target_semaphore(%arg16 : memref<!tpu.dma_semaphore, #tpu.memory_space<semaphore_mem>>)
    %dma_start3A_113 = tpu.memref_slice %arg6[%mul3A_104] : memref<131072xf32, #tpu.memory_space<hbm>> -> memref<8192xf32, #tpu.memory_space<hbm>>
    %dma_start3A_114 = tpu.memref_slice %arg6[%mul3A_104] : memref<131072xf32, #tpu.memory_space<hbm>> -> memref<8192xf32, #tpu.memory_space<hbm>>
    tpu.enqueue_dma source(%dma_start3A_114 : memref<8192xf32, #tpu.memory_space<hbm>>) target(%arg13 : memref<8192xf32, #tpu.memory_space<vmem>>) target_semaphore(%arg16 : memref<!tpu.dma_semaphore, #tpu.memory_space<semaphore_mem>>)
    %dma_wait3A = tpu.memref_slice %arg2[%mul3A_104] : memref<131072xi32, #tpu.memory_space<hbm>> -> memref<8192xi32, #tpu.memory_space<hbm>>
    %dma_wait3A_115 = tpu.memref_slice %arg2[%mul3A_104] : memref<131072xi32, #tpu.memory_space<hbm>> -> memref<8192xi32, #tpu.memory_space<hbm>>
    tpu.wait_dma2 semaphore(%arg16 : memref<!tpu.dma_semaphore, #tpu.memory_space<semaphore_mem>>) src(%dma_wait3A_115 : memref<8192xi32, #tpu.memory_space<hbm>>) dst(%arg9 : memref<8192xi32, #tpu.memory_space<vmem>>)
    %dma_wait3A_116 = tpu.memref_slice %arg3[%mul3A_104] : memref<131072xi32, #tpu.memory_space<hbm>> -> memref<8192xi32, #tpu.memory_space<hbm>>
    %dma_wait3A_117 = tpu.memref_slice %arg3[%mul3A_104] : memref<131072xi32, #tpu.memory_space<hbm>> -> memref<8192xi32, #tpu.memory_space<hbm>>
    tpu.wait_dma2 semaphore(%arg16 : memref<!tpu.dma_semaphore, #tpu.memory_space<semaphore_mem>>) src(%dma_wait3A_117 : memref<8192xi32, #tpu.memory_space<hbm>>) dst(%arg10 : memref<8192xi32, #tpu.memory_space<vmem>>)
    %dma_wait3A_118 = tpu.memref_slice %arg4[%mul3A_104] : memref<131072xi32, #tpu.memory_space<hbm>> -> memref<8192xi32, #tpu.memory_space<hbm>>
    %dma_wait3A_119 = tpu.memref_slice %arg4[%mul3A_104] : memref<131072xi32, #tpu.memory_space<hbm>> -> memref<8192xi32, #tpu.memory_space<hbm>>
    tpu.wait_dma2 semaphore(%arg16 : memref<!tpu.dma_semaphore, #tpu.memory_space<semaphore_mem>>) src(%dma_wait3A_119 : memref<8192xi32, #tpu.memory_space<hbm>>) dst(%arg11 : memref<8192xi32, #tpu.memory_space<vmem>>)
    %dma_wait3A_120 = tpu.memref_slice %arg5[%mul3A_104] : memref<131072xi32, #tpu.memory_space<hbm>> -> memref<8192xi32, #tpu.memory_space<hbm>>
    %dma_wait3A_121 = tpu.memref_slice %arg5[%mul3A_104] : memref<131072xi32, #tpu.memory_space<hbm>> -> memref<8192xi32, #tpu.memory_space<hbm>>
    tpu.wait_dma2 semaphore(%arg16 : memref<!tpu.dma_semaphore, #tpu.memory_space<semaphore_mem>>) src(%dma_wait3A_121 : memref<8192xi32, #tpu.memory_space<hbm>>) dst(%arg12 : memref<8192xi32, #tpu.memory_space<vmem>>)
    %dma_wait3A_122 = tpu.memref_slice %arg6[%mul3A_104] : memref<131072xf32, #tpu.memory_space<hbm>> -> memref<8192xf32, #tpu.memory_space<hbm>>
    %dma_wait3A_123 = tpu.memref_slice %arg6[%mul3A_104] : memref<131072xf32, #tpu.memory_space<hbm>> -> memref<8192xf32, #tpu.memory_space<hbm>>
    tpu.wait_dma2 semaphore(%arg16 : memref<!tpu.dma_semaphore, #tpu.memory_space<semaphore_mem>>) src(%dma_wait3A_123 : memref<8192xf32, #tpu.memory_space<hbm>>) dst(%arg13 : memref<8192xf32, #tpu.memory_space<vmem>>)
    %mul3A_124 = arith.constant 12582912 : i32
    %mul3A_125 = arith.muli %arg0, %mul3A_124 : i32
    %add3A_126 = arith.constant 12582912 : i32
    %add3A_127 = arith.addi %mul3A_125, %add3A_126 : i32
    %scan3A_128 = arith.constant 0 : i32
    %scan3A_129 = arith.constant 0 : i32
    %scan3A_130 = arith.constant 512 : i32
    %scan3A_131 = arith.addi %scan3A_129, %scan3A_130 : i32
    %scan3A_132 = arith.constant 1 : i32
    scf.for %scan3A_188 = %scan3A_129 to %scan3A_131 step %scan3A_132  : i32 {
      %mul3A_189 = arith.constant 16 : i32
      %mul3A_190 = arith.muli %scan3A_188, %mul3A_189 : i32
      %get3A = arith.index_cast %mul3A_190 : i32 to index
      %get3A_191 = tpu.vector_load %arg9[%get3A] {strides = array<i32>} : memref<8192xi32, #tpu.memory_space<vmem>>, vector<16xi32>,
      %get3A_192 = vector.shape_cast %get3A_191 : vector<16xi32> to vector<16xi32>
      %get3A_193 = arith.index_cast %mul3A_190 : i32 to index
      %get3A_194 = tpu.vector_load %arg10[%get3A_193] {strides = array<i32>} : memref<8192xi32, #tpu.memory_space<vmem>>, vector<16xi32>,
      %get3A_195 = vector.shape_cast %get3A_194 : vector<16xi32> to vector<16xi32>
      %get3A_196 = arith.index_cast %mul3A_190 : i32 to index
      %get3A_197 = tpu.vector_load %arg11[%get3A_196] {strides = array<i32>} : memref<8192xi32, #tpu.memory_space<vmem>>, vector<16xi32>,
      %get3A_198 = vector.shape_cast %get3A_197 : vector<16xi32> to vector<16xi32>
      %get3A_199 = arith.index_cast %mul3A_190 : i32 to index
      %get3A_200 = tpu.vector_load %arg12[%get3A_199] {strides = array<i32>} : memref<8192xi32, #tpu.memory_space<vmem>>, vector<16xi32>,
      %get3A_201 = vector.shape_cast %get3A_200 : vector<16xi32> to vector<16xi32>
      %mul3A_202 = arith.constant 6 : i32
      %mul3A_203 = vector.broadcast %mul3A_202 : i32 to vector<16xi32>
      %mul3A_204 = arith.muli %get3A_192, %mul3A_203 : vector<16xi32>
      %add3A_205 = arith.addi %mul3A_204, %get3A_201 : vector<16xi32>
      %mul3A_206 = arith.constant 262144 : i32
      %mul3A_207 = vector.broadcast %mul3A_206 : i32 to vector<16xi32>
      %mul3A_208 = arith.muli %add3A_205, %mul3A_207 : vector<16xi32>
      %shift_right_arithmetic3A = arith.constant 3 : i32
      %shift_right_arithmetic3A_209 = vector.broadcast %shift_right_arithmetic3A : i32 to vector<16xi32>
      %shift_right_arithmetic3A_210 = arith.shrsi %get3A_195, %shift_right_arithmetic3A_209 : vector<16xi32>
      %shift_left3A = arith.constant 2 : i32
      %shift_left3A_211 = vector.broadcast %shift_left3A : i32 to vector<16xi32>
      %shift_left3A_212 = arith.shli %shift_right_arithmetic3A_210, %shift_left3A_211 : vector<16xi32>
      %shift_right_arithmetic3A_213 = arith.constant 7 : i32
      %shift_right_arithmetic3A_214 = vector.broadcast %shift_right_arithmetic3A_213 : i32 to vector<16xi32>
      %shift_right_arithmetic3A_215 = arith.shrsi %get3A_198, %shift_right_arithmetic3A_214 : vector<16xi32>
      %add3A_216 = arith.addi %shift_left3A_212, %shift_right_arithmetic3A_215 : vector<16xi32>
      %mul3A_217 = arith.constant 1024 : i32
      %mul3A_218 = vector.broadcast %mul3A_217 : i32 to vector<16xi32>
      %mul3A_219 = arith.muli %add3A_216, %mul3A_218 : vector<16xi32>
      %add3A_220 = arith.addi %mul3A_208, %mul3A_219 : vector<16xi32>
      %and3A = arith.constant 7 : i32
      %and3A_221 = vector.broadcast %and3A : i32 to vector<16xi32>
      %and3A_222 = arith.andi %get3A_195, %and3A_221 : vector<16xi32>
      %shift_left3A_223 = arith.constant 7 : i32
      %shift_left3A_224 = vector.broadcast %shift_left3A_223 : i32 to vector<16xi32>
      %shift_left3A_225 = arith.shli %and3A_222, %shift_left3A_224 : vector<16xi32>
      %add3A_226 = arith.addi %add3A_220, %shift_left3A_225 : vector<16xi32>
      %and3A_227 = arith.constant 127 : i32
      %and3A_228 = vector.broadcast %and3A_227 : i32 to vector<16xi32>
      %and3A_229 = arith.andi %get3A_198, %and3A_228 : vector<16xi32>
      %add3A_230 = arith.addi %add3A_226, %and3A_229 : vector<16xi32>
      %ge3A = vector.broadcast %mul3A_125 : i32 to vector<16xi32>
      %ge3A_231 = arith.cmpi sge, %add3A_230, %ge3A : vector<16xi32>
      %lt3A = vector.broadcast %add3A_127 : i32 to vector<16xi32>
      %lt3A_232 = arith.cmpi slt, %add3A_230, %lt3A : vector<16xi32>
      %and3A_233 = arith.andi %ge3A_231, %lt3A_232 : vector<16xi1>
      %jit3A = arith.constant 8 : i32
      %div3A = arith.divsi %scan3A_188, %jit3A : i32
      %sign3A = arith.constant 0 : i32
      %sign3A_234 = arith.cmpi sgt, %scan3A_188, %sign3A : i32
      %sign3A_235 = arith.extui %sign3A_234 : i1 to i32
      %sign3A_236 = arith.constant 0 : i32
      %sign3A_237 = arith.cmpi slt, %scan3A_188, %sign3A_236 : i32
      %sign3A_238 = arith.extui %sign3A_237 : i1 to i32
      %sign3A_239 = arith.subi %sign3A_235, %sign3A_238 : i32
      %sign3A_240 = arith.constant 0 : i32
      %sign3A_241 = arith.cmpi sgt, %jit3A, %sign3A_240 : i32
      %sign3A_242 = arith.extui %sign3A_241 : i1 to i32
      %sign3A_243 = arith.constant 0 : i32
      %sign3A_244 = arith.cmpi slt, %jit3A, %sign3A_243 : i32
      %sign3A_245 = arith.extui %sign3A_244 : i1 to i32
      %sign3A_246 = arith.subi %sign3A_242, %sign3A_245 : i32
      %ne3A = arith.cmpi ne, %sign3A_239, %sign3A_246 : i32
      %rem3A = arith.remsi %scan3A_188, %jit3A : i32
      %ne3A_247 = arith.constant 0 : i32
      %ne3A_248 = arith.cmpi ne, %rem3A, %ne3A_247 : i32
      %and3A_249 = arith.andi %ne3A, %ne3A_248 : i1
      %sub3A = arith.constant 1 : i32
      %sub3A_250 = arith.subi %div3A, %sub3A : i32
      %select_n3A = arith.select %and3A_249, %sub3A_250, %div3A : i32
      %jit3A_251 = arith.constant 8 : i32
      %eq3A = arith.constant 0 : i32
      %eq3A_252 = arith.cmpi eq, %jit3A_251, %eq3A : i32
      %jit3A_253 = arith.constant 1 : i32
      %select_n3A_254 = arith.select %eq3A_252, %jit3A_253, %jit3A_251 : i32
      %rem3A_255 = arith.remsi %scan3A_188, %select_n3A_254 : i32
      %ne3A_256 = arith.constant 0 : i32
      %ne3A_257 = arith.cmpi ne, %rem3A_255, %ne3A_256 : i32
      %lt3A_258 = arith.constant 0 : i32
      %lt3A_259 = arith.cmpi slt, %rem3A_255, %lt3A_258 : i32
      %lt3A_260 = arith.constant 0 : i32
      %lt3A_261 = arith.cmpi slt, %select_n3A_254, %lt3A_260 : i32
      %ne3A_262 = arith.xori %lt3A_259, %lt3A_261 : i1
      %and3A_263 = arith.andi %ne3A_262, %ne3A_257 : i1
      %add3A_264 = arith.addi %rem3A_255, %select_n3A_254 : i32
      %select_n3A_265 = arith.select %and3A_263, %add3A_264, %rem3A_255 : i32
      %mul3A_266 = arith.constant 16 : i32
      %mul3A_267 = arith.muli %select_n3A_265, %mul3A_266 : i32
      %broadcast_in_dim3A = arith.constant -1 : i32
      %broadcast_in_dim3A_268 = vector.broadcast %broadcast_in_dim3A : i32 to vector<16xi32>
      %select_n3A_269 = arith.select %and3A_233, %add3A_230, %broadcast_in_dim3A_268 : vector<16xi1>, vector<16xi32>
      %swap3A = arith.index_cast %select_n3A : i32 to index
      %swap3A_270 = arith.index_cast %mul3A_267 : i32 to index
      %swap3A_271 = tpu.vector_load %arg14[%swap3A, %swap3A_270] {strides = array<i32>} : memref<64x128xi32, #tpu.memory_space<vmem>>, vector<1x16xi32>,
      %swap3A_272 = vector.shape_cast %swap3A_271 : vector<1x16xi32> to vector<16xi32>
      %swap3A_273 = vector.shape_cast %select_n3A_269 : vector<16xi32> to vector<1x16xi32>
      tpu.vector_store %arg14[%swap3A, %swap3A_270], %swap3A_273 {strides = array<i32>} : memref<64x128xi32, #tpu.memory_space<vmem>>, vector<1x16xi32>,
    }
    %scan3A_133 = arith.constant 512 : i32
    %dma_wait3A_134 = tpu.memref_slice %arg7[%add3A_9] : memref<25165824xf32, #tpu.memory_space<hbm>> -> memref<32768xf32, #tpu.memory_space<hbm>>
    %dma_wait3A_135 = tpu.memref_slice %arg7[%add3A_9] : memref<25165824xf32, #tpu.memory_space<hbm>> -> memref<32768xf32, #tpu.memory_space<hbm>>
    tpu.wait_dma2 semaphore(%arg15 : memref<!tpu.dma_semaphore, #tpu.memory_space<semaphore_mem>>) src(%arg8 : memref<32768xf32, #tpu.memory_space<vmem>>) dst(%dma_wait3A_135 : memref<32768xf32, #tpu.memory_space<hbm>>)
    %dma_wait3A_136 = tpu.memref_slice %arg7[%add3A_11] : memref<25165824xf32, #tpu.memory_space<hbm>> -> memref<32768xf32, #tpu.memory_space<hbm>>
    %dma_wait3A_137 = tpu.memref_slice %arg7[%add3A_11] : memref<25165824xf32, #tpu.memory_space<hbm>> -> memref<32768xf32, #tpu.memory_space<hbm>>
    tpu.wait_dma2 semaphore(%arg15 : memref<!tpu.dma_semaphore, #tpu.memory_space<semaphore_mem>>) src(%arg8 : memref<32768xf32, #tpu.memory_space<vmem>>) dst(%dma_wait3A_137 : memref<32768xf32, #tpu.memory_space<hbm>>)
    %dma_wait3A_138 = tpu.memref_slice %arg7[%add3A_13] : memref<25165824xf32, #tpu.memory_space<hbm>> -> memref<32768xf32, #tpu.memory_space<hbm>>
    %dma_wait3A_139 = tpu.memref_slice %arg7[%add3A_13] : memref<25165824xf32, #tpu.memory_space<hbm>> -> memref<32768xf32, #tpu.memory_space<hbm>>
    tpu.wait_dma2 semaphore(%arg15 : memref<!tpu.dma_semaphore, #tpu.memory_space<semaphore_mem>>) src(%arg8 : memref<32768xf32, #tpu.memory_space<vmem>>) dst(%dma_wait3A_139 : memref<32768xf32, #tpu.memory_space<hbm>>)
    %dma_wait3A_140 = tpu.memref_slice %arg7[%add3A_15] : memref<25165824xf32, #tpu.memory_space<hbm>> -> memref<32768xf32, #tpu.memory_space<hbm>>
    %dma_wait3A_141 = tpu.memref_slice %arg7[%add3A_15] : memref<25165824xf32, #tpu.memory_space<hbm>> -> memref<32768xf32, #tpu.memory_space<hbm>>
    tpu.wait_dma2 semaphore(%arg15 : memref<!tpu.dma_semaphore, #tpu.memory_space<semaphore_mem>>) src(%arg8 : memref<32768xf32, #tpu.memory_space<vmem>>) dst(%dma_wait3A_141 : memref<32768xf32, #tpu.memory_space<hbm>>)
    %dma_wait3A_142 = tpu.memref_slice %arg7[%add3A_17] : memref<25165824xf32, #tpu.memory_space<hbm>> -> memref<32768xf32, #tpu.memory_space<hbm>>
    %dma_wait3A_143 = tpu.memref_slice %arg7[%add3A_17] : memref<25165824xf32, #tpu.memory_space<hbm>> -> memref<32768xf32, #tpu.memory_space<hbm>>
    tpu.wait_dma2 semaphore(%arg15 : memref<!tpu.dma_semaphore, #tpu.memory_space<semaphore_mem>>) src(%arg8 : memref<32768xf32, #tpu.memory_space<vmem>>) dst(%dma_wait3A_143 : memref<32768xf32, #tpu.memory_space<hbm>>)
    %dma_wait3A_144 = tpu.memref_slice %arg7[%add3A_19] : memref<25165824xf32, #tpu.memory_space<hbm>> -> memref<32768xf32, #tpu.memory_space<hbm>>
    %dma_wait3A_145 = tpu.memref_slice %arg7[%add3A_19] : memref<25165824xf32, #tpu.memory_space<hbm>> -> memref<32768xf32, #tpu.memory_space<hbm>>
    tpu.wait_dma2 semaphore(%arg15 : memref<!tpu.dma_semaphore, #tpu.memory_space<semaphore_mem>>) src(%arg8 : memref<32768xf32, #tpu.memory_space<vmem>>) dst(%dma_wait3A_145 : memref<32768xf32, #tpu.memory_space<hbm>>)
    %dma_wait3A_146 = tpu.memref_slice %arg7[%add3A_21] : memref<25165824xf32, #tpu.memory_space<hbm>> -> memref<32768xf32, #tpu.memory_space<hbm>>
    %dma_wait3A_147 = tpu.memref_slice %arg7[%add3A_21] : memref<25165824xf32, #tpu.memory_space<hbm>> -> memref<32768xf32, #tpu.memory_space<hbm>>
    tpu.wait_dma2 semaphore(%arg15 : memref<!tpu.dma_semaphore, #tpu.memory_space<semaphore_mem>>) src(%arg8 : memref<32768xf32, #tpu.memory_space<vmem>>) dst(%dma_wait3A_147 : memref<32768xf32, #tpu.memory_space<hbm>>)
    %dma_wait3A_148 = tpu.memref_slice %arg7[%add3A_23] : memref<25165824xf32, #tpu.memory_space<hbm>> -> memref<32768xf32, #tpu.memory_space<hbm>>
    %dma_wait3A_149 = tpu.memref_slice %arg7[%add3A_23] : memref<25165824xf32, #tpu.memory_space<hbm>> -> memref<32768xf32, #tpu.memory_space<hbm>>
    tpu.wait_dma2 semaphore(%arg15 : memref<!tpu.dma_semaphore, #tpu.memory_space<semaphore_mem>>) src(%arg8 : memref<32768xf32, #tpu.memory_space<vmem>>) dst(%dma_wait3A_149 : memref<32768xf32, #tpu.memory_space<hbm>>)
    %dma_wait3A_150 = tpu.memref_slice %arg7[%add3A_25] : memref<25165824xf32, #tpu.memory_space<hbm>> -> memref<32768xf32, #tpu.memory_space<hbm>>
    %dma_wait3A_151 = tpu.memref_slice %arg7[%add3A_25] : memref<25165824xf32, #tpu.memory_space<hbm>> -> memref<32768xf32, #tpu.memory_space<hbm>>
    tpu.wait_dma2 semaphore(%arg15 : memref<!tpu.dma_semaphore, #tpu.memory_space<semaphore_mem>>) src(%arg8 : memref<32768xf32, #tpu.memory_space<vmem>>) dst(%dma_wait3A_151 : memref<32768xf32, #tpu.memory_space<hbm>>)
    %dma_wait3A_152 = tpu.memref_slice %arg7[%add3A_27] : memref<25165824xf32, #tpu.memory_space<hbm>> -> memref<32768xf32, #tpu.memory_space<hbm>>
    %dma_wait3A_153 = tpu.memref_slice %arg7[%add3A_27] : memref<25165824xf32, #tpu.memory_space<hbm>> -> memref<32768xf32, #tpu.memory_space<hbm>>
    tpu.wait_dma2 semaphore(%arg15 : memref<!tpu.dma_semaphore, #tpu.memory_space<semaphore_mem>>) src(%arg8 : memref<32768xf32, #tpu.memory_space<vmem>>) dst(%dma_wait3A_153 : memref<32768xf32, #tpu.memory_space<hbm>>)
    %dma_wait3A_154 = tpu.memref_slice %arg7[%add3A_29] : memref<25165824xf32, #tpu.memory_space<hbm>> -> memref<32768xf32, #tpu.memory_space<hbm>>
    %dma_wait3A_155 = tpu.memref_slice %arg7[%add3A_29] : memref<25165824xf32, #tpu.memory_space<hbm>> -> memref<32768xf32, #tpu.memory_space<hbm>>
    tpu.wait_dma2 semaphore(%arg15 : memref<!tpu.dma_semaphore, #tpu.memory_space<semaphore_mem>>) src(%arg8 : memref<32768xf32, #tpu.memory_space<vmem>>) dst(%dma_wait3A_155 : memref<32768xf32, #tpu.memory_space<hbm>>)
    %dma_wait3A_156 = tpu.memref_slice %arg7[%add3A_31] : memref<25165824xf32, #tpu.memory_space<hbm>> -> memref<32768xf32, #tpu.memory_space<hbm>>
    %dma_wait3A_157 = tpu.memref_slice %arg7[%add3A_31] : memref<25165824xf32, #tpu.memory_space<hbm>> -> memref<32768xf32, #tpu.memory_space<hbm>>
    tpu.wait_dma2 semaphore(%arg15 : memref<!tpu.dma_semaphore, #tpu.memory_space<semaphore_mem>>) src(%arg8 : memref<32768xf32, #tpu.memory_space<vmem>>) dst(%dma_wait3A_157 : memref<32768xf32, #tpu.memory_space<hbm>>)
    %dma_wait3A_158 = tpu.memref_slice %arg7[%add3A_33] : memref<25165824xf32, #tpu.memory_space<hbm>> -> memref<32768xf32, #tpu.memory_space<hbm>>
    %dma_wait3A_159 = tpu.memref_slice %arg7[%add3A_33] : memref<25165824xf32, #tpu.memory_space<hbm>> -> memref<32768xf32, #tpu.memory_space<hbm>>
    tpu.wait_dma2 semaphore(%arg15 : memref<!tpu.dma_semaphore, #tpu.memory_space<semaphore_mem>>) src(%arg8 : memref<32768xf32, #tpu.memory_space<vmem>>) dst(%dma_wait3A_159 : memref<32768xf32, #tpu.memory_space<hbm>>)
    %dma_wait3A_160 = tpu.memref_slice %arg7[%add3A_35] : memref<25165824xf32, #tpu.memory_space<hbm>> -> memref<32768xf32, #tpu.memory_space<hbm>>
    %dma_wait3A_161 = tpu.memref_slice %arg7[%add3A_35] : memref<25165824xf32, #tpu.memory_space<hbm>> -> memref<32768xf32, #tpu.memory_space<hbm>>
    tpu.wait_dma2 semaphore(%arg15 : memref<!tpu.dma_semaphore, #tpu.memory_space<semaphore_mem>>) src(%arg8 : memref<32768xf32, #tpu.memory_space<vmem>>) dst(%dma_wait3A_161 : memref<32768xf32, #tpu.memory_space<hbm>>)
    %dma_wait3A_162 = tpu.memref_slice %arg7[%add3A_37] : memref<25165824xf32, #tpu.memory_space<hbm>> -> memref<32768xf32, #tpu.memory_space<hbm>>
    %dma_wait3A_163 = tpu.memref_slice %arg7[%add3A_37] : memref<25165824xf32, #tpu.memory_space<hbm>> -> memref<32768xf32, #tpu.memory_space<hbm>>
    tpu.wait_dma2 semaphore(%arg15 : memref<!tpu.dma_semaphore, #tpu.memory_space<semaphore_mem>>) src(%arg8 : memref<32768xf32, #tpu.memory_space<vmem>>) dst(%dma_wait3A_163 : memref<32768xf32, #tpu.memory_space<hbm>>)
    %dma_wait3A_164 = tpu.memref_slice %arg7[%add3A_39] : memref<25165824xf32, #tpu.memory_space<hbm>> -> memref<32768xf32, #tpu.memory_space<hbm>>
    %dma_wait3A_165 = tpu.memref_slice %arg7[%add3A_39] : memref<25165824xf32, #tpu.memory_space<hbm>> -> memref<32768xf32, #tpu.memory_space<hbm>>
    tpu.wait_dma2 semaphore(%arg15 : memref<!tpu.dma_semaphore, #tpu.memory_space<semaphore_mem>>) src(%arg8 : memref<32768xf32, #tpu.memory_space<vmem>>) dst(%dma_wait3A_165 : memref<32768xf32, #tpu.memory_space<hbm>>)
    %dma_wait3A_166 = tpu.memref_slice %arg7[%add3A_41] : memref<25165824xf32, #tpu.memory_space<hbm>> -> memref<32768xf32, #tpu.memory_space<hbm>>
    %dma_wait3A_167 = tpu.memref_slice %arg7[%add3A_41] : memref<25165824xf32, #tpu.memory_space<hbm>> -> memref<32768xf32, #tpu.memory_space<hbm>>
    tpu.wait_dma2 semaphore(%arg15 : memref<!tpu.dma_semaphore, #tpu.memory_space<semaphore_mem>>) src(%arg8 : memref<32768xf32, #tpu.memory_space<vmem>>) dst(%dma_wait3A_167 : memref<32768xf32, #tpu.memory_space<hbm>>)
    %dma_wait3A_168 = tpu.memref_slice %arg7[%add3A_43] : memref<25165824xf32, #tpu.memory_space<hbm>> -> memref<32768xf32, #tpu.memory_space<hbm>>
    %dma_wait3A_169 = tpu.memref_slice %arg7[%add3A_43] : memref<25165824xf32, #tpu.memory_space<hbm>> -> memref<32768xf32, #tpu.memory_space<hbm>>
    tpu.wait_dma2 semaphore(%arg15 : memref<!tpu.dma_semaphore, #tpu.memory_space<semaphore_mem>>) src(%arg8 : memref<32768xf32, #tpu.memory_space<vmem>>) dst(%dma_wait3A_169 : memref<32768xf32, #tpu.memory_space<hbm>>)
    %dma_wait3A_170 = tpu.memref_slice %arg7[%add3A_45] : memref<25165824xf32, #tpu.memory_space<hbm>> -> memref<32768xf32, #tpu.memory_space<hbm>>
    %dma_wait3A_171 = tpu.memref_slice %arg7[%add3A_45] : memref<25165824xf32, #tpu.memory_space<hbm>> -> memref<32768xf32, #tpu.memory_space<hbm>>
    tpu.wait_dma2 semaphore(%arg15 : memref<!tpu.dma_semaphore, #tpu.memory_space<semaphore_mem>>) src(%arg8 : memref<32768xf32, #tpu.memory_space<vmem>>) dst(%dma_wait3A_171 : memref<32768xf32, #tpu.memory_space<hbm>>)
    %dma_wait3A_172 = tpu.memref_slice %arg7[%add3A_47] : memref<25165824xf32, #tpu.memory_space<hbm>> -> memref<32768xf32, #tpu.memory_space<hbm>>
    %dma_wait3A_173 = tpu.memref_slice %arg7[%add3A_47] : memref<25165824xf32, #tpu.memory_space<hbm>> -> memref<32768xf32, #tpu.memory_space<hbm>>
    tpu.wait_dma2 semaphore(%arg15 : memref<!tpu.dma_semaphore, #tpu.memory_space<semaphore_mem>>) src(%arg8 : memref<32768xf32, #tpu.memory_space<vmem>>) dst(%dma_wait3A_173 : memref<32768xf32, #tpu.memory_space<hbm>>)
    %dma_wait3A_174 = tpu.memref_slice %arg7[%add3A_49] : memref<25165824xf32, #tpu.memory_space<hbm>> -> memref<32768xf32, #tpu.memory_space<hbm>>
    %dma_wait3A_175 = tpu.memref_slice %arg7[%add3A_49] : memref<25165824xf32, #tpu.memory_space<hbm>> -> memref<32768xf32, #tpu.memory_space<hbm>>
    tpu.wait_dma2 semaphore(%arg15 : memref<!tpu.dma_semaphore, #tpu.memory_space<semaphore_mem>>) src(%arg8 : memref<32768xf32, #tpu.memory_space<vmem>>) dst(%dma_wait3A_175 : memref<32768xf32, #tpu.memory_space<hbm>>)
    %dma_wait3A_176 = tpu.memref_slice %arg7[%add3A_51] : memref<25165824xf32, #tpu.memory_space<hbm>> -> memref<32768xf32, #tpu.memory_space<hbm>>
    %dma_wait3A_177 = tpu.memref_slice %arg7[%add3A_51] : memref<25165824xf32, #tpu.memory_space<hbm>> -> memref<32768xf32, #tpu.memory_space<hbm>>
    tpu.wait_dma2 semaphore(%arg15 : memref<!tpu.dma_semaphore, #tpu.memory_space<semaphore_mem>>) src(%arg8 : memref<32768xf32, #tpu.memory_space<vmem>>) dst(%dma_wait3A_177 : memref<32768xf32, #tpu.memory_space<hbm>>)
    %dma_wait3A_178 = tpu.memref_slice %arg7[%add3A_53] : memref<25165824xf32, #tpu.memory_space<hbm>> -> memref<32768xf32, #tpu.memory_space<hbm>>
    %dma_wait3A_179 = tpu.memref_slice %arg7[%add3A_53] : memref<25165824xf32, #tpu.memory_space<hbm>> -> memref<32768xf32, #tpu.memory_space<hbm>>
    tpu.wait_dma2 semaphore(%arg15 : memref<!tpu.dma_semaphore, #tpu.memory_space<semaphore_mem>>) src(%arg8 : memref<32768xf32, #tpu.memory_space<vmem>>) dst(%dma_wait3A_179 : memref<32768xf32, #tpu.memory_space<hbm>>)
    %dma_wait3A_180 = tpu.memref_slice %arg7[%add3A_55] : memref<25165824xf32, #tpu.memory_space<hbm>> -> memref<32768xf32, #tpu.memory_space<hbm>>
    %dma_wait3A_181 = tpu.memref_slice %arg7[%add3A_55] : memref<25165824xf32, #tpu.memory_space<hbm>> -> memref<32768xf32, #tpu.memory_space<hbm>>
    tpu.wait_dma2 semaphore(%arg15 : memref<!tpu.dma_semaphore, #tpu.memory_space<semaphore_mem>>) src(%arg8 : memref<32768xf32, #tpu.memory_space<vmem>>) dst(%dma_wait3A_181 : memref<32768xf32, #tpu.memory_space<hbm>>)
    %barrier3A = arith.constant 0 : index
    tpu.barrier barrier_id(%barrier3A)
    %scan3A_182 = arith.constant 0 : i32
    %scan3A_183 = arith.constant 0 : i32
    %scan3A_184 = arith.constant 8 : i32
    %scan3A_185 = arith.addi %scan3A_183, %scan3A_184 : i32
    %scan3A_186 = arith.constant 1 : i32
    scf.for %scan3A_188 = %scan3A_183 to %scan3A_185 step %scan3A_186  : i32 {
      %mul3A_189 = arith.constant 8 : i32
      %mul3A_190 = arith.muli %scan3A_188, %mul3A_189 : i32
      %add3A_191 = arith.constant 0 : i32
      %add3A_192 = arith.addi %mul3A_190, %add3A_191 : i32
      %mul3A_193 = arith.constant 128 : i32
      %mul3A_194 = arith.muli %add3A_192, %mul3A_193 : i32
      %add3A_195 = arith.constant 0 : i32
      %add3A_196 = arith.addi %mul3A_190, %add3A_195 : i32
      %dma_start3A_197 = tpu.memref_slice %arg13[%mul3A_194] : memref<8192xf32, #tpu.memory_space<vmem>> -> memref<128xf32, #tpu.memory_space<vmem>>
      %dma_start3A_198 = arith.constant 0 : i32
      %dma_start3A_199 = tpu.memref_slice %arg14[%add3A_196, %dma_start3A_198] : memref<64x128xi32, #tpu.memory_space<vmem>> -> memref<1x128xi32, #tpu.memory_space<vmem>>
      %dma_start3A_200 = tpu.memref_squeeze %dma_start3A_199 : memref<1x128xi32, #tpu.memory_space<vmem>> -> memref<128xi32, #tpu.memory_space<vmem>>
      %dma_start3A_201 = arith.constant 0 : i32
      %dma_start3A_202 = tpu.memref_slice %arg7[%dma_start3A_201] : memref<25165824xf32, #tpu.memory_space<hbm>> -> memref<25165824xf32, #tpu.memory_space<hbm>>
      %dma_start3A_203 = arith.constant -1 : i32
      tpu.enqueue_indirect_dma source(%dma_start3A_197 : memref<128xf32, #tpu.memory_space<vmem>>) target(%dma_start3A_202 : memref<25165824xf32, #tpu.memory_space<hbm>>) offsets(%dma_start3A_200 : memref<128xi32, #tpu.memory_space<vmem>>) offset_filter(%dma_start3A_203) semaphore(%arg16 : memref<!tpu.dma_semaphore, #tpu.memory_space<semaphore_mem>>)
      %add3A_204 = arith.constant 1 : i32
      %add3A_205 = arith.addi %mul3A_190, %add3A_204 : i32
      %mul3A_206 = arith.constant 128 : i32
      %mul3A_207 = arith.muli %add3A_205, %mul3A_206 : i32
      %add3A_208 = arith.constant 1 : i32
      %add3A_209 = arith.addi %mul3A_190, %add3A_208 : i32
      %dma_start3A_210 = tpu.memref_slice %arg13[%mul3A_207] : memref<8192xf32, #tpu.memory_space<vmem>> -> memref<128xf32, #tpu.memory_space<vmem>>
      %dma_start3A_211 = arith.constant 0 : i32
      %dma_start3A_212 = tpu.memref_slice %arg14[%add3A_209, %dma_start3A_211] : memref<64x128xi32, #tpu.memory_space<vmem>> -> memref<1x128xi32, #tpu.memory_space<vmem>>
      %dma_start3A_213 = tpu.memref_squeeze %dma_start3A_212 : memref<1x128xi32, #tpu.memory_space<vmem>> -> memref<128xi32, #tpu.memory_space<vmem>>
      %dma_start3A_214 = arith.constant 0 : i32
      %dma_start3A_215 = tpu.memref_slice %arg7[%dma_start3A_214] : memref<25165824xf32, #tpu.memory_space<hbm>> -> memref<25165824xf32, #tpu.memory_space<hbm>>
      %dma_start3A_216 = arith.constant -1 : i32
      tpu.enqueue_indirect_dma source(%dma_start3A_210 : memref<128xf32, #tpu.memory_space<vmem>>) target(%dma_start3A_215 : memref<25165824xf32, #tpu.memory_space<hbm>>) offsets(%dma_start3A_213 : memref<128xi32, #tpu.memory_space<vmem>>) offset_filter(%dma_start3A_216) semaphore(%arg16 : memref<!tpu.dma_semaphore, #tpu.memory_space<semaphore_mem>>)
      %add3A_217 = arith.constant 2 : i32
      %add3A_218 = arith.addi %mul3A_190, %add3A_217 : i32
      %mul3A_219 = arith.constant 128 : i32
      %mul3A_220 = arith.muli %add3A_218, %mul3A_219 : i32
      %add3A_221 = arith.constant 2 : i32
      %add3A_222 = arith.addi %mul3A_190, %add3A_221 : i32
      %dma_start3A_223 = tpu.memref_slice %arg13[%mul3A_220] : memref<8192xf32, #tpu.memory_space<vmem>> -> memref<128xf32, #tpu.memory_space<vmem>>
      %dma_start3A_224 = arith.constant 0 : i32
      %dma_start3A_225 = tpu.memref_slice %arg14[%add3A_222, %dma_start3A_224] : memref<64x128xi32, #tpu.memory_space<vmem>> -> memref<1x128xi32, #tpu.memory_space<vmem>>
      %dma_start3A_226 = tpu.memref_squeeze %dma_start3A_225 : memref<1x128xi32, #tpu.memory_space<vmem>> -> memref<128xi32, #tpu.memory_space<vmem>>
      %dma_start3A_227 = arith.constant 0 : i32
      %dma_start3A_228 = tpu.memref_slice %arg7[%dma_start3A_227] : memref<25165824xf32, #tpu.memory_space<hbm>> -> memref<25165824xf32, #tpu.memory_space<hbm>>
      %dma_start3A_229 = arith.constant -1 : i32
      tpu.enqueue_indirect_dma source(%dma_start3A_223 : memref<128xf32, #tpu.memory_space<vmem>>) target(%dma_start3A_228 : memref<25165824xf32, #tpu.memory_space<hbm>>) offsets(%dma_start3A_226 : memref<128xi32, #tpu.memory_space<vmem>>) offset_filter(%dma_start3A_229) semaphore(%arg16 : memref<!tpu.dma_semaphore, #tpu.memory_space<semaphore_mem>>)
      %add3A_230 = arith.constant 3 : i32
      %add3A_231 = arith.addi %mul3A_190, %add3A_230 : i32
      %mul3A_232 = arith.constant 128 : i32
      %mul3A_233 = arith.muli %add3A_231, %mul3A_232 : i32
      %add3A_234 = arith.constant 3 : i32
      %add3A_235 = arith.addi %mul3A_190, %add3A_234 : i32
      %dma_start3A_236 = tpu.memref_slice %arg13[%mul3A_233] : memref<8192xf32, #tpu.memory_space<vmem>> -> memref<128xf32, #tpu.memory_space<vmem>>
      %dma_start3A_237 = arith.constant 0 : i32
      %dma_start3A_238 = tpu.memref_slice %arg14[%add3A_235, %dma_start3A_237] : memref<64x128xi32, #tpu.memory_space<vmem>> -> memref<1x128xi32, #tpu.memory_space<vmem>>
      %dma_start3A_239 = tpu.memref_squeeze %dma_start3A_238 : memref<1x128xi32, #tpu.memory_space<vmem>> -> memref<128xi32, #tpu.memory_space<vmem>>
      %dma_start3A_240 = arith.constant 0 : i32
      %dma_start3A_241 = tpu.memref_slice %arg7[%dma_start3A_240] : memref<25165824xf32, #tpu.memory_space<hbm>> -> memref<25165824xf32, #tpu.memory_space<hbm>>
      %dma_start3A_242 = arith.constant -1 : i32
      tpu.enqueue_indirect_dma source(%dma_start3A_236 : memref<128xf32, #tpu.memory_space<vmem>>) target(%dma_start3A_241 : memref<25165824xf32, #tpu.memory_space<hbm>>) offsets(%dma_start3A_239 : memref<128xi32, #tpu.memory_space<vmem>>) offset_filter(%dma_start3A_242) semaphore(%arg16 : memref<!tpu.dma_semaphore, #tpu.memory_space<semaphore_mem>>)
      %add3A_243 = arith.constant 4 : i32
      %add3A_244 = arith.addi %mul3A_190, %add3A_243 : i32
      %mul3A_245 = arith.constant 128 : i32
      %mul3A_246 = arith.muli %add3A_244, %mul3A_245 : i32
      %add3A_247 = arith.constant 4 : i32
      %add3A_248 = arith.addi %mul3A_190, %add3A_247 : i32
      %dma_start3A_249 = tpu.memref_slice %arg13[%mul3A_246] : memref<8192xf32, #tpu.memory_space<vmem>> -> memref<128xf32, #tpu.memory_space<vmem>>
      %dma_start3A_250 = arith.constant 0 : i32
      %dma_start3A_251 = tpu.memref_slice %arg14[%add3A_248, %dma_start3A_250] : memref<64x128xi32, #tpu.memory_space<vmem>> -> memref<1x128xi32, #tpu.memory_space<vmem>>
      %dma_start3A_252 = tpu.memref_squeeze %dma_start3A_251 : memref<1x128xi32, #tpu.memory_space<vmem>> -> memref<128xi32, #tpu.memory_space<vmem>>
      %dma_start3A_253 = arith.constant 0 : i32
      %dma_start3A_254 = tpu.memref_slice %arg7[%dma_start3A_253] : memref<25165824xf32, #tpu.memory_space<hbm>> -> memref<25165824xf32, #tpu.memory_space<hbm>>
      %dma_start3A_255 = arith.constant -1 : i32
      tpu.enqueue_indirect_dma source(%dma_start3A_249 : memref<128xf32, #tpu.memory_space<vmem>>) target(%dma_start3A_254 : memref<25165824xf32, #tpu.memory_space<hbm>>) offsets(%dma_start3A_252 : memref<128xi32, #tpu.memory_space<vmem>>) offset_filter(%dma_start3A_255) semaphore(%arg16 : memref<!tpu.dma_semaphore, #tpu.memory_space<semaphore_mem>>)
      %add3A_256 = arith.constant 5 : i32
      %add3A_257 = arith.addi %mul3A_190, %add3A_256 : i32
      %mul3A_258 = arith.constant 128 : i32
      %mul3A_259 = arith.muli %add3A_257, %mul3A_258 : i32
      %add3A_260 = arith.constant 5 : i32
      %add3A_261 = arith.addi %mul3A_190, %add3A_260 : i32
      %dma_start3A_262 = tpu.memref_slice %arg13[%mul3A_259] : memref<8192xf32, #tpu.memory_space<vmem>> -> memref<128xf32, #tpu.memory_space<vmem>>
      %dma_start3A_263 = arith.constant 0 : i32
      %dma_start3A_264 = tpu.memref_slice %arg14[%add3A_261, %dma_start3A_263] : memref<64x128xi32, #tpu.memory_space<vmem>> -> memref<1x128xi32, #tpu.memory_space<vmem>>
      %dma_start3A_265 = tpu.memref_squeeze %dma_start3A_264 : memref<1x128xi32, #tpu.memory_space<vmem>> -> memref<128xi32, #tpu.memory_space<vmem>>
      %dma_start3A_266 = arith.constant 0 : i32
      %dma_start3A_267 = tpu.memref_slice %arg7[%dma_start3A_266] : memref<25165824xf32, #tpu.memory_space<hbm>> -> memref<25165824xf32, #tpu.memory_space<hbm>>
      %dma_start3A_268 = arith.constant -1 : i32
      tpu.enqueue_indirect_dma source(%dma_start3A_262 : memref<128xf32, #tpu.memory_space<vmem>>) target(%dma_start3A_267 : memref<25165824xf32, #tpu.memory_space<hbm>>) offsets(%dma_start3A_265 : memref<128xi32, #tpu.memory_space<vmem>>) offset_filter(%dma_start3A_268) semaphore(%arg16 : memref<!tpu.dma_semaphore, #tpu.memory_space<semaphore_mem>>)
      %add3A_269 = arith.constant 6 : i32
      %add3A_270 = arith.addi %mul3A_190, %add3A_269 : i32
      %mul3A_271 = arith.constant 128 : i32
      %mul3A_272 = arith.muli %add3A_270, %mul3A_271 : i32
      %add3A_273 = arith.constant 6 : i32
      %add3A_274 = arith.addi %mul3A_190, %add3A_273 : i32
      %dma_start3A_275 = tpu.memref_slice %arg13[%mul3A_272] : memref<8192xf32, #tpu.memory_space<vmem>> -> memref<128xf32, #tpu.memory_space<vmem>>
      %dma_start3A_276 = arith.constant 0 : i32
      %dma_start3A_277 = tpu.memref_slice %arg14[%add3A_274, %dma_start3A_276] : memref<64x128xi32, #tpu.memory_space<vmem>> -> memref<1x128xi32, #tpu.memory_space<vmem>>
      %dma_start3A_278 = tpu.memref_squeeze %dma_start3A_277 : memref<1x128xi32, #tpu.memory_space<vmem>> -> memref<128xi32, #tpu.memory_space<vmem>>
      %dma_start3A_279 = arith.constant 0 : i32
      %dma_start3A_280 = tpu.memref_slice %arg7[%dma_start3A_279] : memref<25165824xf32, #tpu.memory_space<hbm>> -> memref<25165824xf32, #tpu.memory_space<hbm>>
      %dma_start3A_281 = arith.constant -1 : i32
      tpu.enqueue_indirect_dma source(%dma_start3A_275 : memref<128xf32, #tpu.memory_space<vmem>>) target(%dma_start3A_280 : memref<25165824xf32, #tpu.memory_space<hbm>>) offsets(%dma_start3A_278 : memref<128xi32, #tpu.memory_space<vmem>>) offset_filter(%dma_start3A_281) semaphore(%arg16 : memref<!tpu.dma_semaphore, #tpu.memory_space<semaphore_mem>>)
      %add3A_282 = arith.constant 7 : i32
      %add3A_283 = arith.addi %mul3A_190, %add3A_282 : i32
      %mul3A_284 = arith.constant 128 : i32
      %mul3A_285 = arith.muli %add3A_283, %mul3A_284 : i32
      %add3A_286 = arith.constant 7 : i32
      %add3A_287 = arith.addi %mul3A_190, %add3A_286 : i32
      %dma_start3A_288 = tpu.memref_slice %arg13[%mul3A_285] : memref<8192xf32, #tpu.memory_space<vmem>> -> memref<128xf32, #tpu.memory_space<vmem>>
      %dma_start3A_289 = arith.constant 0 : i32
      %dma_start3A_290 = tpu.memref_slice %arg14[%add3A_287, %dma_start3A_289] : memref<64x128xi32, #tpu.memory_space<vmem>> -> memref<1x128xi32, #tpu.memory_space<vmem>>
      %dma_start3A_291 = tpu.memref_squeeze %dma_start3A_290 : memref<1x128xi32, #tpu.memory_space<vmem>> -> memref<128xi32, #tpu.memory_space<vmem>>
      %dma_start3A_292 = arith.constant 0 : i32
      %dma_start3A_293 = tpu.memref_slice %arg7[%dma_start3A_292] : memref<25165824xf32, #tpu.memory_space<hbm>> -> memref<25165824xf32, #tpu.memory_space<hbm>>
      %dma_start3A_294 = arith.constant -1 : i32
      tpu.enqueue_indirect_dma source(%dma_start3A_288 : memref<128xf32, #tpu.memory_space<vmem>>) target(%dma_start3A_293 : memref<25165824xf32, #tpu.memory_space<hbm>>) offsets(%dma_start3A_291 : memref<128xi32, #tpu.memory_space<vmem>>) offset_filter(%dma_start3A_294) semaphore(%arg16 : memref<!tpu.dma_semaphore, #tpu.memory_space<semaphore_mem>>)
      %dma_wait3A_295 = tpu.memref_slice %arg13[%mul3A_194] : memref<8192xf32, #tpu.memory_space<vmem>> -> memref<128xf32, #tpu.memory_space<vmem>>
      %dma_wait3A_296 = arith.constant 0 : i32
      %dma_wait3A_297 = tpu.memref_slice %arg14[%add3A_196, %dma_wait3A_296] : memref<64x128xi32, #tpu.memory_space<vmem>> -> memref<1x128xi32, #tpu.memory_space<vmem>>
      %dma_wait3A_298 = tpu.memref_squeeze %dma_wait3A_297 : memref<1x128xi32, #tpu.memory_space<vmem>> -> memref<128xi32, #tpu.memory_space<vmem>>
      %dma_wait3A_299 = arith.constant 0 : i32
      %dma_wait3A_300 = tpu.memref_slice %arg7[%dma_wait3A_299] : memref<25165824xf32, #tpu.memory_space<hbm>> -> memref<25165824xf32, #tpu.memory_space<hbm>>
      tpu.wait_indirect_dma semaphore(%arg16 : memref<!tpu.dma_semaphore, #tpu.memory_space<semaphore_mem>>) src(%dma_wait3A_295 : memref<128xf32, #tpu.memory_space<vmem>>) dst(%dma_wait3A_300 : memref<25165824xf32, #tpu.memory_space<hbm>>)
      %dma_wait3A_301 = tpu.memref_slice %arg13[%mul3A_207] : memref<8192xf32, #tpu.memory_space<vmem>> -> memref<128xf32, #tpu.memory_space<vmem>>
      %dma_wait3A_302 = arith.constant 0 : i32
      %dma_wait3A_303 = tpu.memref_slice %arg14[%add3A_209, %dma_wait3A_302] : memref<64x128xi32, #tpu.memory_space<vmem>> -> memref<1x128xi32, #tpu.memory_space<vmem>>
      %dma_wait3A_304 = tpu.memref_squeeze %dma_wait3A_303 : memref<1x128xi32, #tpu.memory_space<vmem>> -> memref<128xi32, #tpu.memory_space<vmem>>
      %dma_wait3A_305 = arith.constant 0 : i32
      %dma_wait3A_306 = tpu.memref_slice %arg7[%dma_wait3A_305] : memref<25165824xf32, #tpu.memory_space<hbm>> -> memref<25165824xf32, #tpu.memory_space<hbm>>
      tpu.wait_indirect_dma semaphore(%arg16 : memref<!tpu.dma_semaphore, #tpu.memory_space<semaphore_mem>>) src(%dma_wait3A_301 : memref<128xf32, #tpu.memory_space<vmem>>) dst(%dma_wait3A_306 : memref<25165824xf32, #tpu.memory_space<hbm>>)
      %dma_wait3A_307 = tpu.memref_slice %arg13[%mul3A_220] : memref<8192xf32, #tpu.memory_space<vmem>> -> memref<128xf32, #tpu.memory_space<vmem>>
      %dma_wait3A_308 = arith.constant 0 : i32
      %dma_wait3A_309 = tpu.memref_slice %arg14[%add3A_222, %dma_wait3A_308] : memref<64x128xi32, #tpu.memory_space<vmem>> -> memref<1x128xi32, #tpu.memory_space<vmem>>
      %dma_wait3A_310 = tpu.memref_squeeze %dma_wait3A_309 : memref<1x128xi32, #tpu.memory_space<vmem>> -> memref<128xi32, #tpu.memory_space<vmem>>
      %dma_wait3A_311 = arith.constant 0 : i32
      %dma_wait3A_312 = tpu.memref_slice %arg7[%dma_wait3A_311] : memref<25165824xf32, #tpu.memory_space<hbm>> -> memref<25165824xf32, #tpu.memory_space<hbm>>
      tpu.wait_indirect_dma semaphore(%arg16 : memref<!tpu.dma_semaphore, #tpu.memory_space<semaphore_mem>>) src(%dma_wait3A_307 : memref<128xf32, #tpu.memory_space<vmem>>) dst(%dma_wait3A_312 : memref<25165824xf32, #tpu.memory_space<hbm>>)
      %dma_wait3A_313 = tpu.memref_slice %arg13[%mul3A_233] : memref<8192xf32, #tpu.memory_space<vmem>> -> memref<128xf32, #tpu.memory_space<vmem>>
      %dma_wait3A_314 = arith.constant 0 : i32
      %dma_wait3A_315 = tpu.memref_slice %arg14[%add3A_235, %dma_wait3A_314] : memref<64x128xi32, #tpu.memory_space<vmem>> -> memref<1x128xi32, #tpu.memory_space<vmem>>
      %dma_wait3A_316 = tpu.memref_squeeze %dma_wait3A_315 : memref<1x128xi32, #tpu.memory_space<vmem>> -> memref<128xi32, #tpu.memory_space<vmem>>
      %dma_wait3A_317 = arith.constant 0 : i32
      %dma_wait3A_318 = tpu.memref_slice %arg7[%dma_wait3A_317] : memref<25165824xf32, #tpu.memory_space<hbm>> -> memref<25165824xf32, #tpu.memory_space<hbm>>
      tpu.wait_indirect_dma semaphore(%arg16 : memref<!tpu.dma_semaphore, #tpu.memory_space<semaphore_mem>>) src(%dma_wait3A_313 : memref<128xf32, #tpu.memory_space<vmem>>) dst(%dma_wait3A_318 : memref<25165824xf32, #tpu.memory_space<hbm>>)
      %dma_wait3A_319 = tpu.memref_slice %arg13[%mul3A_246] : memref<8192xf32, #tpu.memory_space<vmem>> -> memref<128xf32, #tpu.memory_space<vmem>>
      %dma_wait3A_320 = arith.constant 0 : i32
      %dma_wait3A_321 = tpu.memref_slice %arg14[%add3A_248, %dma_wait3A_320] : memref<64x128xi32, #tpu.memory_space<vmem>> -> memref<1x128xi32, #tpu.memory_space<vmem>>
      %dma_wait3A_322 = tpu.memref_squeeze %dma_wait3A_321 : memref<1x128xi32, #tpu.memory_space<vmem>> -> memref<128xi32, #tpu.memory_space<vmem>>
      %dma_wait3A_323 = arith.constant 0 : i32
      %dma_wait3A_324 = tpu.memref_slice %arg7[%dma_wait3A_323] : memref<25165824xf32, #tpu.memory_space<hbm>> -> memref<25165824xf32, #tpu.memory_space<hbm>>
      tpu.wait_indirect_dma semaphore(%arg16 : memref<!tpu.dma_semaphore, #tpu.memory_space<semaphore_mem>>) src(%dma_wait3A_319 : memref<128xf32, #tpu.memory_space<vmem>>) dst(%dma_wait3A_324 : memref<25165824xf32, #tpu.memory_space<hbm>>)
      %dma_wait3A_325 = tpu.memref_slice %arg13[%mul3A_259] : memref<8192xf32, #tpu.memory_space<vmem>> -> memref<128xf32, #tpu.memory_space<vmem>>
      %dma_wait3A_326 = arith.constant 0 : i32
      %dma_wait3A_327 = tpu.memref_slice %arg14[%add3A_261, %dma_wait3A_326] : memref<64x128xi32, #tpu.memory_space<vmem>> -> memref<1x128xi32, #tpu.memory_space<vmem>>
      %dma_wait3A_328 = tpu.memref_squeeze %dma_wait3A_327 : memref<1x128xi32, #tpu.memory_space<vmem>> -> memref<128xi32, #tpu.memory_space<vmem>>
      %dma_wait3A_329 = arith.constant 0 : i32
      %dma_wait3A_330 = tpu.memref_slice %arg7[%dma_wait3A_329] : memref<25165824xf32, #tpu.memory_space<hbm>> -> memref<25165824xf32, #tpu.memory_space<hbm>>
      tpu.wait_indirect_dma semaphore(%arg16 : memref<!tpu.dma_semaphore, #tpu.memory_space<semaphore_mem>>) src(%dma_wait3A_325 : memref<128xf32, #tpu.memory_space<vmem>>) dst(%dma_wait3A_330 : memref<25165824xf32, #tpu.memory_space<hbm>>)
      %dma_wait3A_331 = tpu.memref_slice %arg13[%mul3A_272] : memref<8192xf32, #tpu.memory_space<vmem>> -> memref<128xf32, #tpu.memory_space<vmem>>
      %dma_wait3A_332 = arith.constant 0 : i32
      %dma_wait3A_333 = tpu.memref_slice %arg14[%add3A_274, %dma_wait3A_332] : memref<64x128xi32, #tpu.memory_space<vmem>> -> memref<1x128xi32, #tpu.memory_space<vmem>>
      %dma_wait3A_334 = tpu.memref_squeeze %dma_wait3A_333 : memref<1x128xi32, #tpu.memory_space<vmem>> -> memref<128xi32, #tpu.memory_space<vmem>>
      %dma_wait3A_335 = arith.constant 0 : i32
      %dma_wait3A_336 = tpu.memref_slice %arg7[%dma_wait3A_335] : memref<25165824xf32, #tpu.memory_space<hbm>> -> memref<25165824xf32, #tpu.memory_space<hbm>>
      tpu.wait_indirect_dma semaphore(%arg16 : memref<!tpu.dma_semaphore, #tpu.memory_space<semaphore_mem>>) src(%dma_wait3A_331 : memref<128xf32, #tpu.memory_space<vmem>>) dst(%dma_wait3A_336 : memref<25165824xf32, #tpu.memory_space<hbm>>)
      %dma_wait3A_337 = tpu.memref_slice %arg13[%mul3A_285] : memref<8192xf32, #tpu.memory_space<vmem>> -> memref<128xf32, #tpu.memory_space<vmem>>
      %dma_wait3A_338 = arith.constant 0 : i32
      %dma_wait3A_339 = tpu.memref_slice %arg14[%add3A_287, %dma_wait3A_338] : memref<64x128xi32, #tpu.memory_space<vmem>> -> memref<1x128xi32, #tpu.memory_space<vmem>>
      %dma_wait3A_340 = tpu.memref_squeeze %dma_wait3A_339 : memref<1x128xi32, #tpu.memory_space<vmem>> -> memref<128xi32, #tpu.memory_space<vmem>>
      %dma_wait3A_341 = arith.constant 0 : i32
      %dma_wait3A_342 = tpu.memref_slice %arg7[%dma_wait3A_341] : memref<25165824xf32, #tpu.memory_space<hbm>> -> memref<25165824xf32, #tpu.memory_space<hbm>>
      tpu.wait_indirect_dma semaphore(%arg16 : memref<!tpu.dma_semaphore, #tpu.memory_space<semaphore_mem>>) src(%dma_wait3A_337 : memref<128xf32, #tpu.memory_space<vmem>>) dst(%dma_wait3A_342 : memref<25165824xf32, #tpu.memory_space<hbm>>)
    }
    %scan3A_187 = arith.constant 8 : i32
    return
  }
}

</mosaic_0001>

<sc_bundles>
// kernel: kernel.3.cloned.1.call-start
scs
__scs_entry_jumppad:
0x0: {  	(pc) =	sbr.rel $0x88, $3  }
0x1: {  	(tag) =	ssettag $0x0;
	lr =	simm.s32 $0x1  }
0x2: {  	[smem:$0x3F9C] =	sst lr;
	_ =	strace $0xD0000000  }
0x3: {  	_ = 	snop  }
0x4: {  	_ = 	snop  }
0x5: {  	_ = 	snop  }
0x6: {  	_ = 	snop  }
0x7: {  	_ = 	snop  }
__scs_overlays_trampoline_lowered:
0x8: {  	[smem:$0x3FAB] =	sst s0  }
0x9: {  	[smem:$0x3FAC] =	sst s1  }
0xa: {  	[smem:$0x3FAD] =	sst s2  }
0xb: {  	[smem:$0x3FAE] =	sst s3  }
0xc: {  	[smem:$0x3FAF] =	sst s4  }
0xd: {  	[smem:$0x3FB0] =	sst s5  }
0xe: {  	[smem:$0x3FB1] =	sst s6  }
0xf: {  	[smem:$0x3FB2] =	sst s7  }
0x10: {  	[smem:$0x3FB3] =	sst s8  }
0x11: {  	[smem:$0x3FB4] =	sst s9;
	s0 =	simm.s32 @!p0 $0x0  }
0x12: {  	s1 =	sld [smem:$0x3F9A];
	s0 =	simm.s32 @p0 $0x1  }
0x13: {  	[smem:$0x3FB5] =	sst s0;
	s0 =	simm.s32 @!p1 $0x0  }
0x14: {  	s2 =	sld [smem:$0x3F99];
	s0 =	simm.s32 @p1 $0x1  }
0x15: {  	[smem:$0x3FB6] =	sst s0;
	s0 =	simm.s32 @!p2 $0x0  }
0x16: {  	s3 =	sld [smem:$0x3FDB];
	s0 =	simm.s32 @p2 $0x1  }
0x17: {  	s4 =	simm.s32 $0x1BF5;
	[smem:$0x3FB8] =	sst s0  }
0x18: {  	s0 =	sld [smem:$0x3F9B];
	_ =	swait.ge [sflag:s4], $0x0  }
0x19: {  	s7 =	sld [smem:$0x3F9C]  }
0x1a: {  	s8 =	sadd.s32 $0xFFFFE003, lr  }
0x1b: {  	s9 =	sadd.s32 $0xFFFFFEF7, lr;
	s5 =	simm.s32 $0xFFFFFFFF;
	p2 =	slt.u32 s8, $0xFFFFF086  }
0x1c: {  	p1 =	slt.u32 s9, $0xF7A;
	s5 =	simm.s32 @!p2 $0x0  }
0x1d: {  	s5 =	simm.s32 @p1 $0x1;
	p0 =	seq.s32 s7, s2  }
0x1e: {  	s7 =	smul.u32 @!p0 $0xF7A, s2;
	p2 =	seq.s32 @!p0 s5, $0x0  }
0x1f: {  	s9 =	smul.u32 $0xF7A, s1;
	s8 =	simm.s32 @!p0 $0x1BF5;
	p2 =	por !p2, p0  }
0x20: {  	[sflag:s8] =	ssyncset.s32 @!p0 $0xFFFFF086;
	s6 =	sadd.s32 @!p0 s3, s7;
	s7 =	simm.s32 @!p0 $0x108  }
0x21: {  	s3 =	sadd.s32 s3, s9;
	s6 =	sadd.s32 @!p0 $0x88, s6;
	s7 =	simm.s32 @p2 $0x1082  }
0x22: {  	[simem:s7], [sflag:s8] =	dma.local @!p0 [hbm:s6], $0xF7A  }
0x23: {  	s9 =	sor.u32 $0xD0000000, s2;
	s6 =	simm.s32 $0x108;
	_ =	swait.ge @!p0 [sflag:s8], $0x0  }
0x24: {  	s3 =	sadd.s32 $0x88, s3;
	s6 =	simm.s32 @!p1 $0x1082;
	[sflag:s4] =	ssyncset.s32 $0xFFFFF086  }
0x25: {  	[simem:s6], [sflag:s4] =	dma.local [hbm:s3], $0xF7A  }
0x26: {  	[smem:$0x3F9C] =	sst s1;
	(tag) =	ssettag s2;
	_ =	strace s9  }
0x27: {  	s1 =	sld [smem:$0x3FAC]  }
0x28: {  	s2 =	sld [smem:$0x3FAD]  }
0x29: {  	s4 =	sld [smem:$0x3FAF]  }
0x2a: {  	p0 =	seq.s32 s5, $0x0;
	s5 =	sld [smem:$0x3FB0]  }
0x2b: {  	s6 =	sld [smem:$0x3FB1]  }
0x2c: {  	s7 =	sld [smem:$0x3FB2]  }
0x2d: {  	s3 =	simm.s32 $0x108;
	s8 =	sld [smem:$0x3FB3]  }
0x2e: {  	s3 =	simm.s32 @!p0 $0x1082;
	s9 =	sld [smem:$0x3FB4]  }
0x2f: {  	lr =	sadd.s32 s0, s3;
	s0 =	sld [smem:$0x3FAB]  }
0x30: {  	s3 =	sld [smem:$0x3FAE]  }
0x31: {  	[smem:$0x3FB7] =	sst s10  }
0x32: {  	s10 =	sld [smem:$0x3FB5];
	_ =	sdelay $0x3  }
0x33: {  	p0 =	seq.s32 s10, $0x1;
	s10 =	sld [smem:$0x3FB7];
	_ =	sdelay $0x3  }
0x34: {  	[smem:$0x3FB7] =	sst s10  }
0x35: {  	s10 =	sld [smem:$0x3FB6];
	_ =	sdelay $0x3  }
0x36: {  	p1 =	seq.s32 s10, $0x1;
	s10 =	sld [smem:$0x3FB7];
	_ =	sdelay $0x3  }
0x37: {  	[smem:$0x3FB7] =	sst s10  }
0x38: {  	s10 =	sld [smem:$0x3FB8]  }
0x39: {  	_ = 	snop;
	(pc) =	sbr.ind lr, $3  }
0x3a: {  	_ = 	snop  }
0x3b: {  	_ = 	snop  }
0x3c: {  	p2 =	seq.s32 s10, $0x1;
	s10 =	sld [smem:$0x3FB7]  }
0x3d: {  	_ =	shalt  }
0x3e: {  	_ =	shalt  }
0x3f: {  	_ =	shalt  }
0x40: {  	_ =	shalt  }
0x41: {  	_ =	shalt  }
0x42: {  	_ =	shalt  }
0x43: {  	_ =	shalt  }
0x44: {  	_ =	shalt  }
0x45: {  	_ =	shalt  }
0x46: {  	_ =	shalt  }
0x47: {  	_ =	shalt  }
0x48: {  	_ =	shalt  }
0x49: {  	_ =	shalt  }
0x4a: {  	_ =	shalt  }
0x4b: {  	_ =	shalt  }
0x4c: {  	_ =	shalt  }
0x4d: {  	_ =	shalt  }
0x4e: {  	_ =	shalt  }
0x4f: {  	_ =	shalt  }
0x50: {  	_ =	shalt  }
0x51: {  	_ =	shalt  }
0x52: {  	_ =	shalt  }
0x53: {  	_ =	shalt  }
0x54: {  	_ =	shalt  }
0x55: {  	_ =	shalt  }
0x56: {  	_ =	shalt  }
0x57: {  	_ =	shalt  }
0x58: {  	_ =	shalt  }
0x59: {  	_ =	shalt  }
0x5a: {  	_ =	shalt  }
0x5b: {  	_ =	shalt  }
0x5c: {  	_ =	shalt  }
0x5d: {  	_ =	shalt  }
0x5e: {  	_ =	shalt  }
0x5f: {  	_ =	shalt  }
0x60: {  	_ =	shalt  }
0x61: {  	_ =	shalt  }
0x62: {  	_ =	shalt  }
0x63: {  	_ =	shalt  }
0x64: {  	_ =	shalt  }
0x65: {  	_ =	shalt  }
0x66: {  	_ =	shalt  }
0x67: {  	_ =	shalt  }
0x68: {  	_ =	shalt  }
0x69: {  	_ =	shalt  }
0x6a: {  	_ =	shalt  }
0x6b: {  	_ =	shalt  }
0x6c: {  	_ =	shalt  }
0x6d: {  	_ =	shalt  }
0x6e: {  	_ =	shalt  }
0x6f: {  	_ =	shalt  }
0x70: {  	_ =	shalt  }
0x71: {  	_ =	shalt  }
0x72: {  	_ =	shalt  }
0x73: {  	_ =	shalt  }
0x74: {  	_ =	shalt  }
0x75: {  	_ =	shalt  }
0x76: {  	_ =	shalt  }
0x77: {  	_ =	shalt  }
0x78: {  	_ =	shalt  }
0x79: {  	_ =	shalt  }
0x7a: {  	_ =	shalt  }
0x7b: {  	_ =	shalt  }
0x7c: {  	_ =	shalt  }
0x7d: {  	_ =	shalt  }
0x7e: {  	_ =	shalt  }
0x7f: {  	_ =	shalt  }
0x80: {  	_ =	shalt  }
0x81: {  	_ =	shalt  }
0x82: {  	_ =	shalt  }
0x83: {  	_ =	shalt  }
0x84: {  	_ =	shalt  }
0x85: {  	_ =	shalt  }
0x86: {  	_ =	shalt  }
0x87: {  	_ =	shalt  }
.Lfunc_end0:
.L_simem_size_0:
called_computation_lowered:
.L_overlay_start_0:
0x88: {  	s2 =	sld [smem:$0x3FD9]  }
0x89: {  	s3 =	sld [smem:$0x3FFE];
	_ =	sdelay $0x1  }
0x8a: {  	s1 =	srdreg.scid  }
0x8b: {  	s0 =	sand.u32 $0x1, s1  }
0x8c: {  	s18 =	sshll.u32 s0, $0xA;
	s2 =	sadd.s32 s3, s2  }
0x8d: {  	s2 =	sadd.s32 s2, s18  }
0x8e: {  	[smem:$0x3FC3] =	sst s2  }
0x8f: {  	_ = 	snop  }
0x90: {  	s2 =	sld [smem:$0x3FC9]  }
0x91: {  	s19 =	sld [smem:$0x3FC8]  }
0x92: {  	s4 =	sld [smem:$0x3FC7]  }
0x93: {  	s5 =	sld [smem:$0x3FC6]  }
0x94: {  	s6 =	sld [smem:$0x3FC5]  }
0x95: {  	s7 =	sld [smem:$0x3FD0];
	(tm) =	ssettm $0x1  }
0x96: {  	s8 =	sld [smem:$0x3FFB];
	_ =	sdelay $0x3  }
0x97: {  	_ =	strace s8  }
0x98: {  	s8 =	sld [smem:$0x3FFC];
	_ =	sdelay $0x3  }
0x99: {  	_ =	strace s8  }
0x9a: {  	s8 =	sld [smem:$0x3FFD];
	_ =	sdelay $0x3  }
0x9b: {  	_ =	strace s8  }
0x9c: {  	_ =	strace $0x8FFFFFFF  }
0x9d: {  	s20 =	sld [smem:$0x3FDB];
	_ =	sdelay $0x1  }
0x9e: {  	s9 =	simm.s32 $_scs_section_size  }
0x9f: {  	s10 =	simm.s32 $_size__tile_overlayer_lowered;
	s11 =	simm.s32 $_tile_overlayer_lowered  }
0xa0: {  	s23 =	simm.s32 $0x1BFF;
	s22 =	sshll.u32 s11, $0x1;
	s8 =	sadd.s32 s9, s20  }
0xa1: {  	s12 =	simm.s32 $0x0;
	s21 =	sshll.u32 s10, $0x1;
	s10 =	sadd.s32 s22, s8  }
0xa2: {  	[timem:s12], [sflag:s23] =	dma.local [hbm:s10], s21  }
0xa3: {  	_ =	swait.ge [sflag:s23], s21  }
0xa4: {  	s9 =	ssub.s32 $0x0, s21;
	[sflag:s23] =	ssyncset.done $0x0  }
0xa5: {  	[sflag:s23] =	ssyncadd.s32 s9;
	_ =	sdelay $0x1  }
0xa6: {  	s24 =	simm.s32 $0x1B8B  }
0xa7: {  	_ =	swait.ge [sflag:s24], $0x1  }
0xa8: {  	[sflag:s24] =	ssyncset.done $0x0  }
0xa9: {  	s25 =	simm.s32 $0x1B8E;
	[sflag:s24] =	ssyncadd.s32 $0xFFFFFFFF  }
0xaa: {  	s26 =	simm.s32 $execute0_lowered;
	[smem:$0x3FD2] =	sst s25  }
0xab: {  	s9 =	sshll.u32 s26, $0x1;
	_ =	strace $0x80000046;
	[dreg:$0x1] =	wrdreg $0xFFFFFFFF  }
0xac: {  	s28 =	simm.s32 $_size_execute0_lowered;
	s8 =	sadd.s32 s8, s9;
	[dreg:$0x0] =	wrdreg $0x0  }
0xad: {  	s9 =	sshll.u32 s28, $0x1;
	[dreg:$0x2] =	wrdreg s8  }
0xae: {  	[dreg:$0x3] =	wrdreg s9  }
0xaf: {  	[dreg:$0x4] =	wrdreg $0xC0  }
0xb0: {  	_ =	task [dreg:s12], $0x5FFFF  }
0xb1: {  	[dreg:$0x1] =	wrdreg $0xFFFFFFFF  }
0xb2: {  	[dreg:$0x0] =	wrdreg $0x60  }
0xb3: {  	[dreg:$0x2] =	wrdreg s2  }
0xb4: {  	[dreg:$0x3] =	wrdreg s19  }
0xb5: {  	[dreg:$0x4] =	wrdreg s4  }
0xb6: {  	[dreg:$0x5] =	wrdreg s5  }
0xb7: {  	[dreg:$0x6] =	wrdreg s6  }
0xb8: {  	[dreg:$0x7] =	wrdreg s7  }
0xb9: {  	[dreg:$0x8] =	wrdreg $0x9  }
0xba: {  	_ =	task.clear_ibuf [dreg:s12], $0x9FFFF;
	_ =	strace $0x90000046  }
0xbb: {  	s29 =	simm.s32 $0x9;
	_ =	strace $0x80000048  }
0xbc: {  	_ =	swait.ge [sflag:s29], $0x1  }
0xbd: {  	[sflag:s29] =	ssyncadd.s32 $0xFFFFFFFF  }
0xbe: {  	_ =	strace $0x90000048  }
0xbf: {  	_ =	sfence  }
0xc0: {  	s30 =	sld [smem:$0x0];
	_ =	sdelay $0x2  }
0xc1: {  	s31 =	sshll.u32 s1, $0xD;
	s1 =	sshrl.u32 s1, $0x2  }
0xc2: {  	s3 =	sand.u32 $0x4000, s31;
	s1 =	sadd.s32 s1, s30  }
0xc3: {  	s0 =	sor.u32 s3, s0;
	s1 =	sshll.u32 s1, $0x11  }
0xc4: {  	s0 =	sor.u32 s1, s0  }
0xc5: {  	s0 =	sadd.s32 $0x8F2B, s0  }
0xc6: {  	[sflag:s0] =	ssyncadd.remote.s32 $0x1  }
0xc7: {  	_ =	sfence.sel $0xFFFF  }
0xc8: {  	[dreg:$0x0] =	wrdreg $0xFFFFFFFF;
	(pc) =	sbr.abs _section_cstart, $3  }
0xc9: {  	[dreg:$0x1] =	wrdreg $0xFFFFFFFF  }
0xca: {  	_ =	task.clear_ibuf [dreg:s12], $0x2FFFF;
	_ =	strace $0x9FFFFFFF  }
0xcb: {  	(tm) =	ssettm $0x7FFFFFFF  }
tec
execute0_lowered:
.L_overlay_start_1:
0x0: {  	(tag) =	ssettag $0x1  }
0x1: {  	s0 =	rddreg [dreg:$0x0]  }
0x2: {  	s1 =	rddreg [dreg:$0x1]  }
0x3: {  	s2 =	srdreg.scid;
	s11 =	stileid.u32  }
0x4: {  	s5 =	rddreg [dreg:$0x2];
	s4 =	sand.u32 $0x1, s2;
	s9 =	smul.u32 $0xC0000, s11  }
0x5: {  	s6 =	rddreg [dreg:$0x3];
	s8 =	smul.u32 $0xC00000, s4  }
0x6: {  	s7 =	rddreg [dreg:$0x4]  }
0x7: {  	s3 =	simm.s32 $0x0;
	s4 =	ssub.s32 $0x2, s4;
	s9 =	sadd.s32 s9, s8  }
0x8: {  	s2 =	rddreg [dreg:$0x5];
	s10 =	sshrl.u32 s4, $0x1;
	s9 =	sshrl.u32 s9, $0x3  }
0x9: {  	[smem:$0x7FF] =	sst s3;
	s10 =	ssub.s32 s4, s10;
	s4 =	sadd.s32 s2, s9  }
0xa: {  	s13 =	sshll.u32 s11, $0xA;
	_ =	strace $0x80000047;
	s9 =	sadd.s32 $0x1000, s4  }
0xb: {  	s18 =	sadd.s32 s0, s13;
	s19 =	sadd.s32 $0x2000, s4;
	[dreg:$0x7] =	wrdreg s9  }
0xc: {  	s14 =	sadd.s32 $0xC00000, s8;
	s20 =	sadd.s32 $0x3000, s4;
	[dreg:$0x8] =	wrdreg s19  }
0xd: {  	v0 =	vmov s8;
	s8 =	simm.s32 $0x80;
	s21 =	sadd.s32 $0x4000, s4;
	[dreg:$0x9] =	wrdreg s20  }
0xe: {  	s22 =	sadd.s32 $0x5000, s4;
	s23 =	sadd.s32 $0x6000, s4;
	[dreg:$0xa] =	wrdreg s21  }
0xf: {  	s24 =	sadd.s32 $0x7000, s4;
	s25 =	sadd.s32 $0x8000, s4;
	[dreg:$0xb] =	wrdreg s22  }
0x10: {  	s26 =	sadd.s32 $0x9000, s4;
	s12 =	sadd.s32 $0xA000, s4;
	[dreg:$0xc] =	wrdreg s23  }
0x11: {  	s15 =	sadd.s32 $0xB000, s4;
	s16 =	sadd.s32 $0xC000, s4;
	[dreg:$0xd] =	wrdreg s24  }
0x12: {  	s17 =	sadd.s32 $0xD000, s4;
	s28 =	sadd.s32 $0x11000, s4;
	[dreg:$0xe] =	wrdreg s25  }
0x13: {  	s29 =	sadd.s32 $0x12000, s4;
	s30 =	sadd.s32 $0x13000, s4;
	[dreg:$0xf] =	wrdreg s26  }
0x14: {  	s31 =	sadd.s32 $0x14000, s4;
	s0 =	sadd.s32 $0x16000, s4;
	[dreg:$0x10] =	wrdreg s12  }
0x15: {  	s19 =	sadd.s32 s1, s13;
	s20 =	sadd.s32 s5, s13;
	s21 =	sadd.s32 s6, s13  }
0x16: {  	s22 =	sadd.s32 s7, s13;
	s23 =	sadd.s32 $0xE000, s4;
	s24 =	smax.u32 s10, $0x1  }
0x17: {  	s25 =	sadd.s32 $0xF000, s4;
	s26 =	sadd.s32 $0x10000, s4;
	s1 =	sadd.s32 $0x15000, s4  }
0x18: {  	v2 =	vimm.f32 $0.0e+00;
	v1 =	vmov s14;
	s5 =	sadd.s32 $0x17000, s4;
	s6 =	simm.s32 $0x2;
	s7 =	simm.s32 $0x1  }
.LBB2_1:
0x19: {  	s9 =	simm.s32 $0x40;
	s10 =	simm.s32 $0x0  }
.LBB2_2:
0x1a: {  	p0 =	sne.s32 s9, $0x1FFC0;
	[tilespmem:s10+$0x0] =	vst v2;
	s10 =	smov.u32 s9;
	s9 =	sadd.s32 $0x40, s9  }
.Ltmp0:
0x1b: {  	(pc) =	sbr.rel @p0 .LBB2_2-.Ltmp0, $2  }
0x1c: {  	_ =	sdelay $0x2  }
0x1d: {  	s10 =	sshra.s32 s10, $0x2  }
0x1e: {  	[tilespmem:s10+$0x0] =	vst v2;
	s9 =	simm.s32 $0x0  }
0x1f: {  	[hbm4b:s4+s9] =	stream.linear.scatter [tilespmem:s9], [sflag:$0x1], $0x8000, $0x38;
	[tilespmem:$0x14000] =	vst v63  }
0x20: {  	s14 =	rddreg [dreg:$0x7]  }
0x21: {  	[hbm4b:s14+s9] =	stream.linear.scatter [tilespmem:s9], [sflag:$0x1], $0x8000, $0x38;
	[tilespmem:$0x14000] =	vst v63  }
0x22: {  	s11 =	rddreg [dreg:$0x8]  }
0x23: {  	[hbm4b:s11+s9] =	stream.linear.scatter [tilespmem:s9], [sflag:$0x1], $0x8000, $0x38;
	[tilespmem:$0x14000] =	vst v63  }
0x24: {  	s12 =	rddreg [dreg:$0x9]  }
0x25: {  	[hbm4b:s12+s9] =	stream.linear.scatter [tilespmem:s9], [sflag:$0x1], $0x8000, $0x38;
	[tilespmem:$0x14000] =	vst v63  }
0x26: {  	s13 =	rddreg [dreg:$0xa]  }
0x27: {  	[hbm4b:s13+s9] =	stream.linear.scatter [tilespmem:s9], [sflag:$0x1], $0x8000, $0x38;
	[tilespmem:$0x14000] =	vst v63  }
0x28: {  	s14 =	rddreg [dreg:$0xb]  }
0x29: {  	[hbm4b:s14+s9] =	stream.linear.scatter [tilespmem:s9], [sflag:$0x1], $0x8000, $0x38;
	[tilespmem:$0x14000] =	vst v63  }
0x2a: {  	s11 =	rddreg [dreg:$0xc]  }
0x2b: {  	[hbm4b:s11+s9] =	stream.linear.scatter [tilespmem:s9], [sflag:$0x1], $0x8000, $0x38;
	[tilespmem:$0x14000] =	vst v63  }
0x2c: {  	s12 =	rddreg [dreg:$0xd]  }
0x2d: {  	[hbm4b:s12+s9] =	stream.linear.scatter [tilespmem:s9], [sflag:$0x1], $0x8000, $0x38;
	[tilespmem:$0x14000] =	vst v63  }
0x2e: {  	s13 =	rddreg [dreg:$0xe]  }
0x2f: {  	[hbm4b:s13+s9] =	stream.linear.scatter [tilespmem:s9], [sflag:$0x1], $0x8000, $0x38;
	[tilespmem:$0x14000] =	vst v63  }
0x30: {  	s14 =	rddreg [dreg:$0xf]  }
0x31: {  	[hbm4b:s14+s9] =	stream.linear.scatter [tilespmem:s9], [sflag:$0x1], $0x8000, $0x38;
	[tilespmem:$0x14000] =	vst v63  }
0x32: {  	s11 =	rddreg [dreg:$0x10]  }
0x33: {  	[hbm4b:s11+s9] =	stream.linear.scatter [tilespmem:s9], [sflag:$0x1], $0x8000, $0x38;
	[tilespmem:$0x14000] =	vst v63  }
0x34: {  	_ = 	snop  }
0x35: {  	[hbm4b:s15+s9] =	stream.linear.scatter [tilespmem:s9], [sflag:$0x1], $0x8000, $0x38;
	[tilespmem:$0x14000] =	vst v63  }
0x36: {  	_ = 	snop  }
0x37: {  	[hbm4b:s16+s9] =	stream.linear.scatter [tilespmem:s9], [sflag:$0x1], $0x8000, $0x38;
	[tilespmem:$0x14000] =	vst v63  }
0x38: {  	_ = 	snop  }
0x39: {  	[hbm4b:s17+s9] =	stream.linear.scatter [tilespmem:s9], [sflag:$0x1], $0x8000, $0x38;
	[tilespmem:$0x14000] =	vst v63  }
0x3a: {  	_ = 	snop  }
0x3b: {  	[hbm4b:s23+s9] =	stream.linear.scatter [tilespmem:s9], [sflag:$0x1], $0x8000, $0x38;
	[tilespmem:$0x14000] =	vst v63  }
0x3c: {  	_ = 	snop  }
0x3d: {  	[hbm4b:s25+s9] =	stream.linear.scatter [tilespmem:s9], [sflag:$0x1], $0x8000, $0x38;
	[tilespmem:$0x14000] =	vst v63  }
0x3e: {  	_ = 	snop  }
0x3f: {  	[hbm4b:s26+s9] =	stream.linear.scatter [tilespmem:s9], [sflag:$0x1], $0x8000, $0x38;
	[tilespmem:$0x14000] =	vst v63  }
0x40: {  	_ = 	snop  }
0x41: {  	[hbm4b:s28+s9] =	stream.linear.scatter [tilespmem:s9], [sflag:$0x1], $0x8000, $0x38;
	[tilespmem:$0x14000] =	vst v63  }
0x42: {  	_ = 	snop  }
0x43: {  	[hbm4b:s29+s9] =	stream.linear.scatter [tilespmem:s9], [sflag:$0x1], $0x8000, $0x38;
	[tilespmem:$0x14000] =	vst v63  }
0x44: {  	_ = 	snop  }
0x45: {  	[hbm4b:s30+s9] =	stream.linear.scatter [tilespmem:s9], [sflag:$0x1], $0x8000, $0x38;
	[tilespmem:$0x14000] =	vst v63  }
0x46: {  	_ = 	snop  }
0x47: {  	[hbm4b:s31+s9] =	stream.linear.scatter [tilespmem:s9], [sflag:$0x1], $0x8000, $0x38;
	[tilespmem:$0x14000] =	vst v63  }
0x48: {  	_ = 	snop  }
0x49: {  	[hbm4b:s1+s9] =	stream.linear.scatter [tilespmem:s9], [sflag:$0x1], $0x8000, $0x38;
	[tilespmem:$0x14000] =	vst v63  }
0x4a: {  	_ = 	snop  }
0x4b: {  	[hbm4b:s0+s9] =	stream.linear.scatter [tilespmem:s9], [sflag:$0x1], $0x8000, $0x38;
	[tilespmem:$0x14000] =	vst v63  }
0x4c: {  	_ = 	snop  }
0x4d: {  	[hbm4b:s5+s9] =	stream.linear.scatter [tilespmem:s9], [sflag:$0x1], $0x8000, $0x38;
	[tilespmem:$0x14000] =	vst v63  }
0x4e: {  	s12 =	simm.s32 $0x8000  }
0x4f: {  	[tilespmem:s12], [sflag:$0x2] =	stream.linear.gather [hbm4b:s18+s9], $0x2000, $0x38;
	[tilespmem:$0x14000] =	vst v63  }
0x50: {  	s13 =	simm.s32 $0xA000  }
0x51: {  	[tilespmem:s13], [sflag:$0x2] =	stream.linear.gather [hbm4b:s19+s9], $0x2000, $0x38;
	[tilespmem:$0x14000] =	vst v63  }
0x52: {  	s14 =	simm.s32 $0xC000  }
0x53: {  	[tilespmem:s14], [sflag:$0x2] =	stream.linear.gather [hbm4b:s20+s9], $0x2000, $0x38;
	[tilespmem:$0x14000] =	vst v63  }
0x54: {  	s11 =	simm.s32 $0xE000  }
0x55: {  	[tilespmem:s11], [sflag:$0x2] =	stream.linear.gather [hbm4b:s21+s9], $0x2000, $0x38;
	[tilespmem:$0x14000] =	vst v63  }
0x56: {  	s12 =	simm.s32 $0x10000  }
0x57: {  	[tilespmem:s12], [sflag:$0x2] =	stream.linear.gather [hbm4b:s22+s9], $0x2000, $0x38;
	[tilespmem:$0x14000] =	vst v63  }
0x58: {  	_ =	swait.ge [sflag:s6], $0x2000  }
0x59: {  	[sflag:s6] =	ssyncset.done $0x0  }
0x5a: {  	[sflag:s6] =	ssyncadd.s32 $0xFFFFE000  }
0x5b: {  	_ =	swait.ge [sflag:s6], $0x2000  }
0x5c: {  	[sflag:s6] =	ssyncset.done $0x0  }
0x5d: {  	[sflag:s6] =	ssyncadd.s32 $0xFFFFE000  }
0x5e: {  	_ =	swait.ge [sflag:s6], $0x2000  }
0x5f: {  	[sflag:s6] =	ssyncset.done $0x0  }
0x60: {  	[sflag:s6] =	ssyncadd.s32 $0xFFFFE000  }
0x61: {  	_ =	swait.ge [sflag:s6], $0x2000  }
0x62: {  	[sflag:s6] =	ssyncset.done $0x0  }
0x63: {  	[sflag:s6] =	ssyncadd.s32 $0xFFFFE000  }
0x64: {  	_ =	swait.ge [sflag:s6], $0x2000  }
0x65: {  	[sflag:s6] =	ssyncset.done $0x0  }
0x66: {  	s13 =	simm.s32 $0x0;
	[sflag:s6] =	ssyncadd.s32 $0xFFFFE000  }
0x67: {  	v3 =	vld [tilespmem:s13+$0x8000]  }
0x68: {  	v4 =	vld [tilespmem:s13+$0xA000]  }
0x69: {  	v5 =	vld [tilespmem:s13+$0xC000]  }
0x6a: {  	v6 =	vld [tilespmem:s13+$0xE000];
	_ =	sdelay $0x2  }
0x6b: {  	v3 =	vmul.u32 $0x6, v3;
	v7 =	vshrl.u32 v4, $0x1  }
0x6c: {  	v8 =	vshrl.u32 v5, $0x7;
	v7 =	vand.u32 $0x3FFFFC, v7  }
0x6d: {  	v3 =	vadd.s32 v3, v6;
	v63 =	vadd.s32 v8, v7  }
0x6e: {  	v4 =	vshll.u32 v4, $0x7;
	v3 =	vshll.u32 v3, $0x12;
	v6 =	vshll.u32 v63, $0xA  }
0x6f: {  	v4 =	vand.u32 $0x380, v4;
	v3 =	vadd.s32 v6, v3  }
0x70: {  	v3 =	vor.u32 v4, v3;
	v4 =	vand.u32 $0x7F, v5  }
0x71: {  	v3 =	vor.u32 v4, v3  }
0x72: {  	s14 =	sand.u32 $0x7E00, s9;
	vm0 =	vge.s32 v3, v0;
	vm1 =	vlt.s32 v3, v1  }
0x73: {  	s10 =	sshrl.u32 s14, $0x2;
	s11 =	sand.u32 $0x70, s9;
	vm0 =	vmand vm0, vm1  }
0x74: {  	s10 =	sor.u32 s11, s10;
	v3 =	vnsel vm0, $0xFFFFFFFF, v3  }
0x75: {  	s12 =	simm.s32 $0x10;
	[tilespmem:s10+$0x12000] =	vst v3  }
0x76: {  	s11 =	simm.s32 $0x80;
	s10 =	simm.s32 $0x40;
	v3 =	vld [tilespmem:s12+$0x8000]  }
.LBB2_4:
0x77: {  	p0 =	sne.s32 s11, $0x7FC0;
	v4 =	vld [tilespmem:s12+$0xA000]  }
0x78: {  	v5 =	vld [tilespmem:s12+$0xC000]  }
0x79: {  	v6 =	vld [tilespmem:s12+$0xE000];
	_ =	sdelay $0x2  }
0x7a: {  	v3 =	vmul.u32 $0x6, v3;
	v7 =	vshrl.u32 v4, $0x1  }
0x7b: {  	v7 =	vand.u32 $0x3FFFFC, v7;
	v8 =	vshrl.u32 v5, $0x7  }
0x7c: {  	v3 =	vadd.s32 v3, v6;
	v6 =	vadd.s32 v8, v7  }
0x7d: {  	v4 =	vshll.u32 v4, $0x7;
	v3 =	vshll.u32 v3, $0x12;
	v6 =	vshll.u32 v6, $0xA  }
0x7e: {  	v4 =	vand.u32 $0x380, v4;
	v3 =	vadd.s32 v6, v3  }
0x7f: {  	v3 =	vor.u32 v4, v3;
	v4 =	vand.u32 $0x7F, v5  }
0x80: {  	v3 =	vor.u32 v4, v3  }
.Ltmp1:
0x81: {  	s10 =	sand.u32 $0x7E00, s10;
	s9 =	sadd.s32 $0x10, s9;
	vm0 =	vge.s32 v3, v0;
	vm1 =	vlt.s32 v3, v1;
	(pc) =	sbr.rel @p0 .LBB2_4-.Ltmp1, $4  }
0x82: {  	s13 =	sshrl.u32 s10, $0x2;
	s10 =	smov.u32 s11;
	s12 =	sand.u32 $0x70, s9;
	vm0 =	vmand vm0, vm1  }
0x83: {  	s13 =	sor.u32 s12, s13;
	v3 =	vnsel vm0, $0xFFFFFFFF, v3  }
0x84: {  	s12 =	sshra.s32 s11, $0x2;
	[tilespmem:s13+$0x12000] =	vst v3  }
0x85: {  	s11 =	sadd.s32 $0x40, s11;
	v3 =	vld [tilespmem:s12+$0x8000]  }
0x86: {  	v4 =	vld [tilespmem:s12+$0xA000]  }
0x87: {  	v5 =	vld [tilespmem:s12+$0xC000]  }
0x88: {  	v6 =	vld [tilespmem:s12+$0xE000];
	_ =	sdelay $0x2  }
0x89: {  	v3 =	vmul.u32 $0x6, v3;
	v7 =	vshrl.u32 v4, $0x1  }
0x8a: {  	v8 =	vshrl.u32 v5, $0x7;
	v7 =	vand.u32 $0x3FFFFC, v7  }
0x8b: {  	v3 =	vadd.s32 v3, v6;
	v62 =	vadd.s32 v8, v7  }
0x8c: {  	v4 =	vshll.u32 v4, $0x7;
	v3 =	vshll.u32 v3, $0x12;
	v6 =	vshll.u32 v62, $0xA  }
0x8d: {  	v4 =	vand.u32 $0x380, v4;
	v3 =	vadd.s32 v6, v3  }
0x8e: {  	v63 =	vand.u32 $0x7F, v5;
	v3 =	vor.u32 v4, v3  }
0x8f: {  	v3 =	vor.u32 v63, v3  }
0x90: {  	s10 =	sand.u32 $0x7E00, s10;
	s9 =	sadd.s32 $0x10, s9;
	vm0 =	vge.s32 v3, v0;
	vm1 =	vlt.s32 v3, v1  }
0x91: {  	s9 =	sand.u32 $0x70, s9;
	s10 =	sshrl.u32 s10, $0x2;
	vm0 =	vmand vm0, vm1  }
0x92: {  	s9 =	sor.u32 s9, s10;
	v3 =	vnsel vm0, $0xFFFFFFFF, v3  }
0x93: {  	[tilespmem:s9+$0x12000] =	vst v3  }
0x94: {  	_ =	swait.ge [sflag:s7], $0x8000  }
0x95: {  	[sflag:s7] =	ssyncset.done $0x0  }
0x96: {  	[sflag:s7] =	ssyncadd.s32 $0xFFFF8000  }
0x97: {  	_ =	swait.ge [sflag:s7], $0x8000  }
0x98: {  	[sflag:s7] =	ssyncset.done $0x0  }
0x99: {  	[sflag:s7] =	ssyncadd.s32 $0xFFFF8000  }
0x9a: {  	_ =	swait.ge [sflag:s7], $0x8000  }
0x9b: {  	[sflag:s7] =	ssyncset.done $0x0  }
0x9c: {  	[sflag:s7] =	ssyncadd.s32 $0xFFFF8000  }
0x9d: {  	_ =	swait.ge [sflag:s7], $0x8000  }
0x9e: {  	[sflag:s7] =	ssyncset.done $0x0  }
0x9f: {  	[sflag:s7] =	ssyncadd.s32 $0xFFFF8000  }
0xa0: {  	_ =	swait.ge [sflag:s7], $0x8000  }
0xa1: {  	[sflag:s7] =	ssyncset.done $0x0  }
0xa2: {  	[sflag:s7] =	ssyncadd.s32 $0xFFFF8000  }
0xa3: {  	_ =	swait.ge [sflag:s7], $0x8000  }
0xa4: {  	[sflag:s7] =	ssyncset.done $0x0  }
0xa5: {  	[sflag:s7] =	ssyncadd.s32 $0xFFFF8000  }
0xa6: {  	_ =	swait.ge [sflag:s7], $0x8000  }
0xa7: {  	[sflag:s7] =	ssyncset.done $0x0  }
0xa8: {  	[sflag:s7] =	ssyncadd.s32 $0xFFFF8000  }
0xa9: {  	_ =	swait.ge [sflag:s7], $0x8000  }
0xaa: {  	[sflag:s7] =	ssyncset.done $0x0  }
0xab: {  	[sflag:s7] =	ssyncadd.s32 $0xFFFF8000  }
0xac: {  	_ =	swait.ge [sflag:s7], $0x8000  }
0xad: {  	[sflag:s7] =	ssyncset.done $0x0  }
0xae: {  	[sflag:s7] =	ssyncadd.s32 $0xFFFF8000  }
0xaf: {  	_ =	swait.ge [sflag:s7], $0x8000  }
0xb0: {  	[sflag:s7] =	ssyncset.done $0x0  }
0xb1: {  	[sflag:s7] =	ssyncadd.s32 $0xFFFF8000  }
0xb2: {  	_ =	swait.ge [sflag:s7], $0x8000  }
0xb3: {  	[sflag:s7] =	ssyncset.done $0x0  }
0xb4: {  	[sflag:s7] =	ssyncadd.s32 $0xFFFF8000  }
0xb5: {  	_ =	swait.ge [sflag:s7], $0x8000  }
0xb6: {  	[sflag:s7] =	ssyncset.done $0x0  }
0xb7: {  	[sflag:s7] =	ssyncadd.s32 $0xFFFF8000  }
0xb8: {  	_ =	swait.ge [sflag:s7], $0x8000  }
0xb9: {  	[sflag:s7] =	ssyncset.done $0x0  }
0xba: {  	[sflag:s7] =	ssyncadd.s32 $0xFFFF8000  }
0xbb: {  	_ =	swait.ge [sflag:s7], $0x8000  }
0xbc: {  	[sflag:s7] =	ssyncset.done $0x0  }
0xbd: {  	[sflag:s7] =	ssyncadd.s32 $0xFFFF8000  }
0xbe: {  	_ =	swait.ge [sflag:s7], $0x8000  }
0xbf: {  	[sflag:s7] =	ssyncset.done $0x0  }
0xc0: {  	[sflag:s7] =	ssyncadd.s32 $0xFFFF8000  }
0xc1: {  	_ =	swait.ge [sflag:s7], $0x8000  }
0xc2: {  	[sflag:s7] =	ssyncset.done $0x0  }
0xc3: {  	[sflag:s7] =	ssyncadd.s32 $0xFFFF8000  }
0xc4: {  	_ =	swait.ge [sflag:s7], $0x8000  }
0xc5: {  	[sflag:s7] =	ssyncset.done $0x0  }
0xc6: {  	[sflag:s7] =	ssyncadd.s32 $0xFFFF8000  }
0xc7: {  	_ =	swait.ge [sflag:s7], $0x8000  }
0xc8: {  	[sflag:s7] =	ssyncset.done $0x0  }
0xc9: {  	[sflag:s7] =	ssyncadd.s32 $0xFFFF8000  }
0xca: {  	_ =	swait.ge [sflag:s7], $0x8000  }
0xcb: {  	[sflag:s7] =	ssyncset.done $0x0  }
0xcc: {  	[sflag:s7] =	ssyncadd.s32 $0xFFFF8000  }
0xcd: {  	_ =	swait.ge [sflag:s7], $0x8000  }
0xce: {  	[sflag:s7] =	ssyncset.done $0x0  }
0xcf: {  	[sflag:s7] =	ssyncadd.s32 $0xFFFF8000  }
0xd0: {  	_ =	swait.ge [sflag:s7], $0x8000  }
0xd1: {  	[sflag:s7] =	ssyncset.done $0x0  }
0xd2: {  	[sflag:s7] =	ssyncadd.s32 $0xFFFF8000  }
0xd3: {  	_ =	swait.ge [sflag:s7], $0x8000  }
0xd4: {  	[sflag:s7] =	ssyncset.done $0x0  }
0xd5: {  	[sflag:s7] =	ssyncadd.s32 $0xFFFF8000  }
0xd6: {  	_ =	swait.ge [sflag:s7], $0x8000  }
0xd7: {  	[sflag:s7] =	ssyncset.done $0x0  }
0xd8: {  	[sflag:s7] =	ssyncadd.s32 $0xFFFF8000  }
0xd9: {  	_ =	swait.ge [sflag:s7], $0x8000  }
0xda: {  	[sflag:s7] =	ssyncset.done $0x0  }
0xdb: {  	[sflag:s7] =	ssyncadd.s32 $0xFFFF8000  }
0xdc: {  	[bflag:$0x0] =	sbarrier.arrive $0xFFFF  }
0xdd: {  	(ifvalue) =	ssetifvalue $0xFFFFFFFF  }
0xde: {  	s11 =	simm.s32 $0x12000;
	s12 =	simm.s32 $0x10000;
	(ifvalue) =	ssetifvalue $0xFFFFFFFF  }
0xdf: {  	[hbm4b:s2+s8] =	stream.indirect.scatter [tilespmem:s12], [sflag:$0x2], $0x1, s11, s8, $0x40b8;
	[tilespmem:$0x14000] =	vst v63  }
0xe0: {  	(ifvalue) =	ssetifvalue $0xFFFFFFFF  }
0xe1: {  	s13 =	simm.s32 $0x10080;
	s14 =	simm.s32 $0x12080;
	(ifvalue) =	ssetifvalue $0xFFFFFFFF  }
0xe2: {  	[hbm4b:s2+s8] =	stream.indirect.scatter [tilespmem:s13], [sflag:$0x2], $0x1, s14, s8, $0x40b8;
	[tilespmem:$0x14000] =	vst v63  }
0xe3: {  	(ifvalue) =	ssetifvalue $0xFFFFFFFF  }
0xe4: {  	s11 =	simm.s32 $0x10100;
	s12 =	simm.s32 $0x12100;
	(ifvalue) =	ssetifvalue $0xFFFFFFFF  }
0xe5: {  	[hbm4b:s2+s8] =	stream.indirect.scatter [tilespmem:s11], [sflag:$0x2], $0x1, s12, s8, $0x40b8;
	[tilespmem:$0x14000] =	vst v63  }
0xe6: {  	(ifvalue) =	ssetifvalue $0xFFFFFFFF  }
0xe7: {  	s13 =	simm.s32 $0x10180;
	s14 =	simm.s32 $0x12180;
	(ifvalue) =	ssetifvalue $0xFFFFFFFF  }
0xe8: {  	[hbm4b:s2+s8] =	stream.indirect.scatter [tilespmem:s13], [sflag:$0x2], $0x1, s14, s8, $0x40b8;
	[tilespmem:$0x14000] =	vst v63  }
0xe9: {  	(ifvalue) =	ssetifvalue $0xFFFFFFFF  }
0xea: {  	s11 =	simm.s32 $0x10200;
	s12 =	simm.s32 $0x12200;
	(ifvalue) =	ssetifvalue $0xFFFFFFFF  }
0xeb: {  	[hbm4b:s2+s8] =	stream.indirect.scatter [tilespmem:s11], [sflag:$0x2], $0x1, s12, s8, $0x40b8;
	[tilespmem:$0x14000] =	vst v63  }
0xec: {  	(ifvalue) =	ssetifvalue $0xFFFFFFFF  }
0xed: {  	s13 =	simm.s32 $0x10280;
	s14 =	simm.s32 $0x12280;
	(ifvalue) =	ssetifvalue $0xFFFFFFFF  }
0xee: {  	[hbm4b:s2+s8] =	stream.indirect.scatter [tilespmem:s13], [sflag:$0x2], $0x1, s14, s8, $0x40b8;
	[tilespmem:$0x14000] =	vst v63  }
0xef: {  	(ifvalue) =	ssetifvalue $0xFFFFFFFF  }
0xf0: {  	s11 =	simm.s32 $0x10300;
	s12 =	simm.s32 $0x12300;
	(ifvalue) =	ssetifvalue $0xFFFFFFFF  }
0xf1: {  	[hbm4b:s2+s8] =	stream.indirect.scatter [tilespmem:s11], [sflag:$0x2], $0x1, s12, s8, $0x40b8;
	[tilespmem:$0x14000] =	vst v63  }
0xf2: {  	(ifvalue) =	ssetifvalue $0xFFFFFFFF  }
0xf3: {  	s13 =	simm.s32 $0x10380;
	s14 =	simm.s32 $0x12380;
	(ifvalue) =	ssetifvalue $0xFFFFFFFF  }
0xf4: {  	[hbm4b:s2+s8] =	stream.indirect.scatter [tilespmem:s13], [sflag:$0x2], $0x1, s14, s8, $0x40b8;
	[tilespmem:$0x14000] =	vst v63  }
0xf5: {  	_ =	swait.ge [sflag:s6], $0x80  }
0xf6: {  	[sflag:s6] =	ssyncset.done $0x0  }
0xf7: {  	[sflag:s6] =	ssyncadd.s32 $0xFFFFFF80  }
0xf8: {  	_ =	swait.ge [sflag:s6], $0x80  }
0xf9: {  	[sflag:s6] =	ssyncset.done $0x0  }
0xfa: {  	[sflag:s6] =	ssyncadd.s32 $0xFFFFFF80  }
0xfb: {  	_ =	swait.ge [sflag:s6], $0x80  }
0xfc: {  	[sflag:s6] =	ssyncset.done $0x0  }
0xfd: {  	[sflag:s6] =	ssyncadd.s32 $0xFFFFFF80  }
0xfe: {  	_ =	swait.ge [sflag:s6], $0x80  }
0xff: {  	[sflag:s6] =	ssyncset.done $0x0  }
0x100: {  	[sflag:s6] =	ssyncadd.s32 $0xFFFFFF80  }
0x101: {  	_ =	swait.ge [sflag:s6], $0x80  }
0x102: {  	[sflag:s6] =	ssyncset.done $0x0  }
0x103: {  	[sflag:s6] =	ssyncadd.s32 $0xFFFFFF80  }
0x104: {  	_ =	swait.ge [sflag:s6], $0x80  }
0x105: {  	[sflag:s6] =	ssyncset.done $0x0  }
0x106: {  	[sflag:s6] =	ssyncadd.s32 $0xFFFFFF80  }
0x107: {  	_ =	swait.ge [sflag:s6], $0x80  }
0x108: {  	[sflag:s6] =	ssyncset.done $0x0  }
0x109: {  	s9 =	simm.s32 $0x400;
	[sflag:s6] =	ssyncadd.s32 $0xFFFFFF80  }
0x10a: {  	s12 =	simm.s32 $0x2000;
	(ifvalue) =	ssetifvalue $0xFFFFFFFF;
	_ =	swait.ge [sflag:s6], $0x80  }
.LBB2_6:
0x10b: {  	s13 =	sadd.s32 $0x12000, s9  }
0x10c: {  	(ifvalue) =	ssetifvalue $0xFFFFFFFF;
	[sflag:s6] =	ssyncset.done $0x0;
	s11 =	smov.u32 s12  }
0x10d: {  	s10 =	sadd.s32 $0x1000, s12;
	s14 =	sadd.s32 $0x10000, s9;
	[sflag:s6] =	ssyncadd.s32 $0xFFFFFF80  }
0x10e: {  	[hbm4b:s2+s8] =	stream.indirect.scatter [tilespmem:s14], [sflag:$0x2], $0x1, s13, s8, $0x40b8;
	[tilespmem:$0x14000] =	vst v63  }
0x10f: {  	p0 =	sne.s32 s12, $0x7000;
	(ifvalue) =	ssetifvalue $0xFFFFFFFF  }
0x110: {  	s12 =	sadd.s32 $0x10080, s9;
	s13 =	sadd.s32 $0x12080, s9;
	(ifvalue) =	ssetifvalue $0xFFFFFFFF  }
0x111: {  	[hbm4b:s2+s8] =	stream.indirect.scatter [tilespmem:s12], [sflag:$0x2], $0x1, s13, s8, $0x40b8;
	[tilespmem:$0x14000] =	vst v63  }
0x112: {  	(ifvalue) =	ssetifvalue $0xFFFFFFFF  }
0x113: {  	s12 =	sadd.s32 $0x10100, s9;
	s13 =	sadd.s32 $0x12100, s9;
	(ifvalue) =	ssetifvalue $0xFFFFFFFF  }
0x114: {  	[hbm4b:s2+s8] =	stream.indirect.scatter [tilespmem:s12], [sflag:$0x2], $0x1, s13, s8, $0x40b8;
	[tilespmem:$0x14000] =	vst v63  }
0x115: {  	(ifvalue) =	ssetifvalue $0xFFFFFFFF  }
0x116: {  	s12 =	sadd.s32 $0x10180, s9;
	s13 =	sadd.s32 $0x12180, s9;
	(ifvalue) =	ssetifvalue $0xFFFFFFFF  }
0x117: {  	[hbm4b:s2+s8] =	stream.indirect.scatter [tilespmem:s12], [sflag:$0x2], $0x1, s13, s8, $0x40b8;
	[tilespmem:$0x14000] =	vst v63  }
0x118: {  	(ifvalue) =	ssetifvalue $0xFFFFFFFF  }
0x119: {  	s12 =	sadd.s32 $0x10200, s9;
	s13 =	sadd.s32 $0x12200, s9;
	(ifvalue) =	ssetifvalue $0xFFFFFFFF  }
0x11a: {  	[hbm4b:s2+s8] =	stream.indirect.scatter [tilespmem:s12], [sflag:$0x2], $0x1, s13, s8, $0x40b8;
	[tilespmem:$0x14000] =	vst v63  }
0x11b: {  	(ifvalue) =	ssetifvalue $0xFFFFFFFF  }
0x11c: {  	s12 =	sadd.s32 $0x10280, s9;
	s13 =	sadd.s32 $0x12280, s9;
	(ifvalue) =	ssetifvalue $0xFFFFFFFF  }
0x11d: {  	[hbm4b:s2+s8] =	stream.indirect.scatter [tilespmem:s12], [sflag:$0x2], $0x1, s13, s8, $0x40b8;
	[tilespmem:$0x14000] =	vst v63  }
0x11e: {  	(ifvalue) =	ssetifvalue $0xFFFFFFFF  }
0x11f: {  	s12 =	sadd.s32 $0x10300, s9;
	s13 =	sadd.s32 $0x12300, s9;
	(ifvalue) =	ssetifvalue $0xFFFFFFFF  }
0x120: {  	[hbm4b:s2+s8] =	stream.indirect.scatter [tilespmem:s12], [sflag:$0x2], $0x1, s13, s8, $0x40b8;
	[tilespmem:$0x14000] =	vst v63  }
0x121: {  	(ifvalue) =	ssetifvalue $0xFFFFFFFF  }
0x122: {  	s12 =	sadd.s32 $0x10380, s9;
	s9 =	sadd.s32 $0x12380, s9;
	(ifvalue) =	ssetifvalue $0xFFFFFFFF  }
0x123: {  	[hbm4b:s2+s8] =	stream.indirect.scatter [tilespmem:s12], [sflag:$0x2], $0x1, s9, s8, $0x40b8;
	[tilespmem:$0x14000] =	vst v63  }
0x124: {  	_ =	swait.ge [sflag:s6], $0x80  }
0x125: {  	[sflag:s6] =	ssyncset.done $0x0  }
0x126: {  	[sflag:s6] =	ssyncadd.s32 $0xFFFFFF80  }
0x127: {  	_ =	swait.ge [sflag:s6], $0x80  }
0x128: {  	[sflag:s6] =	ssyncset.done $0x0  }
0x129: {  	[sflag:s6] =	ssyncadd.s32 $0xFFFFFF80  }
0x12a: {  	_ =	swait.ge [sflag:s6], $0x80  }
0x12b: {  	[sflag:s6] =	ssyncset.done $0x0  }
0x12c: {  	[sflag:s6] =	ssyncadd.s32 $0xFFFFFF80  }
0x12d: {  	_ =	swait.ge [sflag:s6], $0x80  }
0x12e: {  	[sflag:s6] =	ssyncset.done $0x0  }
0x12f: {  	[sflag:s6] =	ssyncadd.s32 $0xFFFFFF80  }
0x130: {  	_ =	swait.ge [sflag:s6], $0x80  }
0x131: {  	[sflag:s6] =	ssyncset.done $0x0  }
0x132: {  	[sflag:s6] =	ssyncadd.s32 $0xFFFFFF80  }
0x133: {  	_ =	swait.ge [sflag:s6], $0x80  }
0x134: {  	[sflag:s6] =	ssyncset.done $0x0  }
.Ltmp2:
0x135: {  	[sflag:s6] =	ssyncadd.s32 $0xFFFFFF80;
	(pc) =	sbr.rel @p0 .LBB2_6-.Ltmp2, $4  }
0x136: {  	_ =	swait.ge [sflag:s6], $0x80  }
0x137: {  	[sflag:s6] =	ssyncset.done $0x0  }
0x138: {  	s9 =	sshra.s32 s11, $0x2;
	[sflag:s6] =	ssyncadd.s32 $0xFFFFFF80  }
0x139: {  	s12 =	smov.u32 s10;
	(ifvalue) =	ssetifvalue $0xFFFFFFFF;
	_ =	swait.ge [sflag:s6], $0x80  }
0x13a: {  	(ifvalue) =	ssetifvalue $0xFFFFFFFF;
	[sflag:s6] =	ssyncset.done $0x0  }
0x13b: {  	s10 =	sadd.s32 $0x12000, s9;
	s11 =	sadd.s32 $0x10000, s9;
	[sflag:s6] =	ssyncadd.s32 $0xFFFFFF80  }
0x13c: {  	[hbm4b:s2+s8] =	stream.indirect.scatter [tilespmem:s11], [sflag:$0x2], $0x1, s10, s8, $0x40b8;
	[tilespmem:$0x14000] =	vst v63  }
0x13d: {  	(ifvalue) =	ssetifvalue $0xFFFFFFFF  }
0x13e: {  	s13 =	sadd.s32 $0x10080, s9;
	s14 =	sadd.s32 $0x12080, s9;
	(ifvalue) =	ssetifvalue $0xFFFFFFFF  }
0x13f: {  	[hbm4b:s2+s8] =	stream.indirect.scatter [tilespmem:s13], [sflag:$0x2], $0x1, s14, s8, $0x40b8;
	[tilespmem:$0x14000] =	vst v63  }
0x140: {  	(ifvalue) =	ssetifvalue $0xFFFFFFFF  }
0x141: {  	s12 =	sadd.s32 $0x12100, s9;
	s11 =	sadd.s32 $0x10100, s9;
	(ifvalue) =	ssetifvalue $0xFFFFFFFF  }
0x142: {  	[hbm4b:s2+s8] =	stream.indirect.scatter [tilespmem:s11], [sflag:$0x2], $0x1, s12, s8, $0x40b8;
	[tilespmem:$0x14000] =	vst v63  }
0x143: {  	(ifvalue) =	ssetifvalue $0xFFFFFFFF  }
0x144: {  	s13 =	sadd.s32 $0x10180, s9;
	s14 =	sadd.s32 $0x12180, s9;
	(ifvalue) =	ssetifvalue $0xFFFFFFFF  }
0x145: {  	[hbm4b:s2+s8] =	stream.indirect.scatter [tilespmem:s13], [sflag:$0x2], $0x1, s14, s8, $0x40b8;
	[tilespmem:$0x14000] =	vst v63  }
0x146: {  	(ifvalue) =	ssetifvalue $0xFFFFFFFF  }
0x147: {  	s11 =	sadd.s32 $0x10200, s9;
	s12 =	sadd.s32 $0x12200, s9;
	(ifvalue) =	ssetifvalue $0xFFFFFFFF  }
0x148: {  	[hbm4b:s2+s8] =	stream.indirect.scatter [tilespmem:s11], [sflag:$0x2], $0x1, s12, s8, $0x40b8;
	[tilespmem:$0x14000] =	vst v63  }
0x149: {  	(ifvalue) =	ssetifvalue $0xFFFFFFFF  }
0x14a: {  	s13 =	sadd.s32 $0x10280, s9;
	s14 =	sadd.s32 $0x12280, s9;
	(ifvalue) =	ssetifvalue $0xFFFFFFFF  }
0x14b: {  	[hbm4b:s2+s8] =	stream.indirect.scatter [tilespmem:s13], [sflag:$0x2], $0x1, s14, s8, $0x40b8;
	[tilespmem:$0x14000] =	vst v63  }
0x14c: {  	(ifvalue) =	ssetifvalue $0xFFFFFFFF  }
0x14d: {  	s11 =	sadd.s32 $0x10300, s9;
	s12 =	sadd.s32 $0x12300, s9;
	(ifvalue) =	ssetifvalue $0xFFFFFFFF  }
0x14e: {  	[hbm4b:s2+s8] =	stream.indirect.scatter [tilespmem:s11], [sflag:$0x2], $0x1, s12, s8, $0x40b8;
	[tilespmem:$0x14000] =	vst v63  }
0x14f: {  	(ifvalue) =	ssetifvalue $0xFFFFFFFF  }
0x150: {  	s13 =	sadd.s32 $0x10380, s9;
	s14 =	sadd.s32 $0x12380, s9;
	(ifvalue) =	ssetifvalue $0xFFFFFFFF  }
0x151: {  	[hbm4b:s2+s8] =	stream.indirect.scatter [tilespmem:s13], [sflag:$0x2], $0x1, s14, s8, $0x40b8;
	[tilespmem:$0x14000] =	vst v63  }
0x152: {  	_ =	swait.ge [sflag:s6], $0x80  }
0x153: {  	[sflag:s6] =	ssyncset.done $0x0  }
0x154: {  	[sflag:s6] =	ssyncadd.s32 $0xFFFFFF80  }
0x155: {  	_ =	swait.ge [sflag:s6], $0x80  }
0x156: {  	[sflag:s6] =	ssyncset.done $0x0  }
0x157: {  	[sflag:s6] =	ssyncadd.s32 $0xFFFFFF80  }
0x158: {  	_ =	swait.ge [sflag:s6], $0x80  }
0x159: {  	[sflag:s6] =	ssyncset.done $0x0  }
0x15a: {  	[sflag:s6] =	ssyncadd.s32 $0xFFFFFF80  }
0x15b: {  	_ =	swait.ge [sflag:s6], $0x80  }
0x15c: {  	[sflag:s6] =	ssyncset.done $0x0  }
0x15d: {  	[sflag:s6] =	ssyncadd.s32 $0xFFFFFF80  }
0x15e: {  	_ =	swait.ge [sflag:s6], $0x80  }
0x15f: {  	[sflag:s6] =	ssyncset.done $0x0  }
0x160: {  	[sflag:s6] =	ssyncadd.s32 $0xFFFFFF80  }
0x161: {  	_ =	swait.ge [sflag:s6], $0x80  }
0x162: {  	[sflag:s6] =	ssyncset.done $0x0  }
0x163: {  	s3 =	sadd.s32 $0x1, s3;
	[sflag:s6] =	ssyncadd.s32 $0xFFFFFF80  }
0x164: {  	p0 =	sne.s32 s3, s24;
	_ =	swait.ge [sflag:s6], $0x80  }
.Ltmp3:
0x165: {  	[sflag:s6] =	ssyncset.done $0x0;
	(pc) =	sbr.rel @p0 .LBB2_1-.Ltmp3, $4  }
0x166: {  	[sflag:s6] =	ssyncadd.s32 $0xFFFFFF80  }
0x167: {  	_ =	swait.ge [sflag:s6], $0x80  }
0x168: {  	[sflag:s6] =	ssyncset.done $0x0  }
0x169: {  	[sflag:s6] =	ssyncadd.s32 $0xFFFFFF80  }
0x16a: {  	_ =	sfence.sel $0x180000  }
0x16b: {  	[bflag:$0x0] =	sbarrier.arrive $0xFFFF  }
0x16c: {  	_ =	strace $0x90000047  }
0x16d: {  	s0 =	stileid.u32;
	[bflag:$0x2] =	sbarrier.arrive $0xFFFF  }
0x16e: {  	p0 =	sne.s32 s0, $0x0;
	s0 =	rddreg [dreg:$0x6]  }
0x16f: {  	s0 =	sadd.s32 @!p0 $0x100000, s0  }
0x170: {  	[sflag:s0] =	ssyncadd.tile.s32 @!p0 $0x1;
	_ =	shalt  }
.Lfunc_end2:
_tile_overlayer_lowered:
.L_overlay_start_2:
0x171: {  	(tag) =	ssettag $0x2  }
0x172: {  	s0 =	rddreg [dreg:$0x0];
	s2 =	stileid.u32  }
0x173: {  	s1 =	rddreg [dreg:$0x1];
	p0 =	sne.s32 s2, $0x0  }
0x174: {  	s3 =	rddreg [dreg:$0x2];
	[bflag:$0x3] =	sbarrier.arrive $0xFFFF;
	s2 =	simm.s32 @!p0 $0x1C03  }
0x175: {  	[timem:s3], [sflag:s2] =	dma.local @!p0 [hbm:s0], s1  }
0x176: {  	s0 =	simm.s32 @!p0 $0x3  }
0x177: {  	_ =	swait.ge @!p0 [sflag:s0], s1  }
0x178: {  	s1 =	ssub.s32 @!p0 $0x0, s1;
	[sflag:s0] =	ssyncset.done @!p0 $0x0  }
0x179: {  	[sflag:s0] =	ssyncadd.s32 @!p0 s1  }
0x17a: {  	[bflag:$0x3] =	sbarrier.arrive $0xFFFF  }
0x17b: {  	_ =	shalt  }

</sc_bundles>
